<compile_context>
chip_gen: v7x
topology: tpu7x:2x2x1
jax: 0.10.2.dev20260603
libtpu: 0.0.44.dev20260713+nightly
codegen_flags: <defaults>
</compile_context>

<pallas_src>
import functools

import jax
import jax.numpy as jnp
from jax import lax
from jax.experimental import pallas as pl
from jax.experimental.pallas import tpu as pltpu
from jax.experimental.pallas import tpu_sc as plsc

_NC = 2
_NS = 16
_NW = _NC * _NS

_SLOPE = 0.1


def _lrelu(v):
    return jnp.maximum(v, _SLOPE * v)


def _sc_gather(table, idx, C):
    B = idx.shape[0]
    D = table.shape[1]
    b_per_w = B // _NW
    n_chunks = b_per_w // C
    assert b_per_w % C == 0 and C % 8 == 0 and C <= 128

    mesh = plsc.VectorSubcoreMesh(core_axis_name="c", subcore_axis_name="s")

    @functools.partial(
        pl.kernel,
        out_type=jax.ShapeDtypeStruct((B, D), jnp.float32),
        mesh=mesh,
        scratch_types=[
            pltpu.VMEM((C,), jnp.int32),
            pltpu.VMEM((C, D), jnp.float32),
            pltpu.SemaphoreType.DMA,
        ],
    )
    def k(table_hbm, idx_hbm, out_hbm, idx_v, rows_v, sem):
        wid = lax.axis_index("s") * _NC + lax.axis_index("c")
        base = wid * b_per_w

        def body(ci, carry):
            off = base + ci * C
            pltpu.sync_copy(idx_hbm.at[pl.ds(off, C)], idx_v)
            pltpu.async_copy(table_hbm.at[idx_v], rows_v, sem).wait()
            pltpu.sync_copy(rows_v, out_hbm.at[pl.ds(off, C)])
            return carry

        lax.fori_loop(0, n_chunks, body, 0)

    return k(table, idx)


def _tc_mm_bias(a, w, bias, BM):
    M, K = a.shape
    N = w.shape[1]

    def body(a_ref, w_ref, b_ref, o_ref):
        o_ref[...] = (
            jnp.dot(a_ref[...], w_ref[...], preferred_element_type=jnp.float32)
            + b_ref[...]
        )

    return pl.pallas_call(
        body,
        grid=(M // BM,),
        in_specs=[
            pl.BlockSpec((BM, K), lambda i: (i, 0)),
            pl.BlockSpec((K, N), lambda i: (0, 0)),
            pl.BlockSpec((1, N), lambda i: (0, 0)),
        ],
        out_specs=pl.BlockSpec((BM, N), lambda i: (i, 0)),
        out_shape=jax.ShapeDtypeStruct((M, N), jnp.float32),
    )(a, w, bias.reshape(1, N))


def _tc_mm_plain(a, w):
    M, K = a.shape
    N = w.shape[1]

    def body(a_ref, w_ref, o_ref):
        o_ref[...] = jnp.dot(a_ref[...], w_ref[...], preferred_element_type=jnp.float32)

    return pl.pallas_call(
        body,
        out_shape=jax.ShapeDtypeStruct((M, N), jnp.float32),
    )(a, w)


def _tc_mm_fused(g, s, w, BM):
    M, K = g.shape
    N = w.shape[1]

    def body(g_ref, s_ref, w_ref, o_ref):
        h = _lrelu(g_ref[...] + s_ref[...])
        o_ref[...] = jnp.dot(h, w_ref[...], preferred_element_type=jnp.float32)

    return pl.pallas_call(
        body,
        grid=(M // BM,),
        in_specs=[
            pl.BlockSpec((BM, K), lambda i: (i, 0)),
            pl.BlockSpec((BM, K), lambda i: (i, 0)),
            pl.BlockSpec((K, N), lambda i: (0, 0)),
        ],
        out_specs=pl.BlockSpec((BM, N), lambda i: (i, 0)),
        out_shape=jax.ShapeDtypeStruct((M, N), jnp.float32),
    )(g, s, w)


def _tc_lrelu_add(g, s, BM):
    M, N = g.shape

    def body(g_ref, s_ref, o_ref):
        o_ref[...] = _lrelu(g_ref[...] + s_ref[...])

    return pl.pallas_call(
        body,
        grid=(M // BM,),
        in_specs=[
            pl.BlockSpec((BM, N), lambda i: (i, 0)),
            pl.BlockSpec((BM, N), lambda i: (i, 0)),
        ],
        out_specs=pl.BlockSpec((BM, N), lambda i: (i, 0)),
        out_shape=jax.ShapeDtypeStruct((M, N), jnp.float32),
    )(g, s)


def _pad_rows(a, P):
    n = a.shape[0]
    if n == P:
        return a
    return jnp.pad(a, ((0, P - n),) + ((0, 0),) * (a.ndim - 1))


def _pad_len(n, C):
    q = _NW * C
    return ((n + q - 1) // q) * q


def kernel(x, skip_0, skip_1, skip_2, up_2, up_1, up_0, W1, b1, W2, b2, W3, b3):
    N3, D3 = x.shape
    N0, D0 = skip_0.shape
    N1, D1 = skip_1.shape
    N2, D2 = skip_2.shape
    H1 = W1.shape[1]
    H2 = W2.shape[1]
    H3 = W3.shape[1]

    C2, C1, C0 = 104, 56, 112
    P2 = _pad_len(N2, C2)
    P1 = _pad_len(N1, C1)
    P0 = _pad_len(N0, C0)

    up_2p = _pad_rows(up_2.astype(jnp.int32), P2)
    up_1p = _pad_rows(up_1.astype(jnp.int32), P1)
    up_0p = _pad_rows(up_0.astype(jnp.int32), P0)

    p1 = _tc_mm_plain(x, W1[:D3])
    s1 = _tc_mm_bias(_pad_rows(skip_2, P2), W1[D3:], b1, 256)
    g1 = _sc_gather(p1, up_2p, C2)
    p2 = _tc_mm_fused(g1, s1, W2[:H1], 256)
    s2 = _tc_mm_bias(_pad_rows(skip_1, P1), W2[H1:], b2, 256)
    g2 = _sc_gather(p2, up_1p, C1)
    p3 = _tc_mm_fused(g2, s2, W3[:H2], 256)
    s3 = _tc_mm_bias(_pad_rows(skip_0, P0), W3[H2:], b3, 256)
    g3 = _sc_gather(p3, up_0p, C0)
    out = _tc_lrelu_add(g3, s3, 256)
    return out[:N0]

# --- scband reference (transcript-rebuilt; emitter-appended) ---
"""Pipeline reference for scband-kpconv-decoder-67929202753912 (READ-ONLY COPY).

The authoritative reference and input builder live on the scoring server;
editing this copy changes nothing except your own understanding.
"""

import jax, jax.numpy as jnp
import numpy as np

# KPConv decoder head: three (nearest_upsample -> concat skip -> unary) stages.
# Derived from kpconv_architecture with first_features_dim=128:
#   decoder_skip_dims = [128, 256, 512]; coarsest feature dim = 1024.
#   unary1: 1024+512=1536 -> 512 ; unary2: 512+256=768 -> 256 ; unary3: 256+128=384 -> 128
# UnaryBlock = Linear + bias + LeakyReLU(0.1) (batch norm disabled in config).

N3, N2, N1, N0 = 800, 3125, 12500, 50000

def setup_inputs(seed: int = 0) -> dict:
    key = jax.random.key(seed)
    ks = jax.random.split(key, 16)
    inp = {}
    inp["x"] = jax.random.normal(ks[0], (N3, 1024), dtype=jnp.float32)
    inp["skip_0"] = jax.random.normal(ks[1], (N0, 128), dtype=jnp.float32)
    inp["skip_1"] = jax.random.normal(ks[2], (N1, 256), dtype=jnp.float32)
    inp["skip_2"] = jax.random.normal(ks[3], (N2, 512), dtype=jnp.float32)
    inp["up_2"] = jax.random.randint(ks[4], (N2,), 0, N3, dtype=jnp.int64 if jax.config.jax_enable_x64 else jnp.int32)
    inp["up_1"] = jax.random.randint(ks[5], (N1,), 0, N2, dtype=jnp.int64 if jax.config.jax_enable_x64 else jnp.int32)
    inp["up_0"] = jax.random.randint(ks[6], (N0,), 0, N1, dtype=jnp.int64 if jax.config.jax_enable_x64 else jnp.int32)
    # learned parameters of the three unary blocks
    inp["W1"] = jax.random.normal(ks[7], (1536, 512), dtype=jnp.float32) * (1.0 / np.sqrt(1536))
    inp["b1"] = jnp.zeros((512,), dtype=jnp.float32)
    inp["W2"] = jax.random.normal(ks[8], (768, 256), dtype=jnp.float32) * (1.0 / np.sqrt(768))
    inp["b2"] = jnp.zeros((256,), dtype=jnp.float32)
    inp["W3"] = jax.random.normal(ks[9], (384, 128), dtype=jnp.float32) * (1.0 / np.sqrt(384))
    inp["b3"] = jnp.zeros((128,), dtype=jnp.float32)
    return inp


def _unary(x, W, b):
    return jax.nn.leaky_relu(x @ W + b, negative_slope=0.1)


def reference(x, skip_0, skip_1, skip_2, up_2, up_1, up_0, W1, b1, W2, b2, W3, b3):
    # stage 1: upsample N3 -> N2 (nearest-neighbor gather), concat skip, unary
    x = jnp.take(x, up_2, axis=0)
    x = jnp.concatenate([x, skip_2], axis=1)  # [N2, 1536]
    x = _unary(x, W1, b1)                     # [N2, 512]
    # stage 2: upsample N2 -> N1
    x = jnp.take(x, up_1, axis=0)
    x = jnp.concatenate([x, skip_1], axis=1)  # [N1, 768]
    x = _unary(x, W2, b2)                     # [N1, 256]
    # stage 3: upsample N1 -> N0
    x = jnp.take(x, up_0, axis=0)
    x = jnp.concatenate([x, skip_0], axis=1)  # [N0, 384]
    x = _unary(x, W3, b3)                     # [N0, 128]
    return x

if __name__ == "__main__":
    import jax
    _d = setup_inputs()
    print(jax.jit(kernel)(*tuple(_d.values())))

</pallas_src>

<mosaic_0001>
#map = affine_map<(d0, d1) -> (0, 0)>
#map1 = affine_map<(d0, d1) -> (0)>
module attributes {stable_mosaic.version = 14 : i64} {
  func.func @k(%arg0: i32, %arg1: i32, %arg2: memref<12544x128xf32, #tpu.memory_space<hbm>>, %arg3: memref<50176xi32, #tpu.memory_space<hbm>>, %arg4: memref<50176x128xf32, #tpu.memory_space<hbm>>, %arg5: memref<112xi32, #tpu.memory_space<vmem>>, %arg6: memref<112x128xf32, #tpu.memory_space<vmem>>, %arg7: memref<!tpu.dma_semaphore, #tpu.memory_space<semaphore_mem>>) attributes {dimension_semantics = [#tpu.dimension_semantics<core_parallel>, #tpu.dimension_semantics<subcore_parallel>], iteration_bounds = array<i64: 2, 16>, scalar_prefetch = 0 : i64, scratch_operands = 3 : i64, tpu.core_type = #tpu.core_type<sc_vector_subcore>, window_params = [{transform_indices = #map}, {transform_indices = #map1}, {transform_indices = #map}]} {
    %mul3A = arith.constant 2 : i32
    %mul3A_0 = arith.muli %arg1, %mul3A : i32
    %add3A = arith.addi %mul3A_0, %arg0 : i32
    %mul3A_1 = arith.constant 1568 : i32
    %mul3A_2 = arith.muli %add3A, %mul3A_1 : i32
    %scan3A = arith.constant 0 : i32
    %scan3A_3 = arith.constant 0 : i32
    %scan3A_4 = arith.constant 14 : i32
    %scan3A_5 = arith.addi %scan3A_3, %scan3A_4 : i32
    %scan3A_6 = arith.constant 1 : i32
    scf.for %scan3A_8 = %scan3A_3 to %scan3A_5 step %scan3A_6  : i32 {
      %mul3A_9 = arith.constant 112 : i32
      %mul3A_10 = arith.muli %scan3A_8, %mul3A_9 : i32
      %add3A_11 = arith.addi %mul3A_2, %mul3A_10 : i32
      "tpu.region"() ({
        %run_scoped3A = tpu.sem_alloc : memref<!tpu.dma_semaphore, #tpu.memory_space<semaphore_mem>>
        %dma_start3A_16 = tpu.memref_slice %arg3[%add3A_11] : memref<50176xi32, #tpu.memory_space<hbm>> -> memref<112xi32, #tpu.memory_space<hbm>>
        %dma_start3A_17 = tpu.memref_slice %arg3[%add3A_11] : memref<50176xi32, #tpu.memory_space<hbm>> -> memref<112xi32, #tpu.memory_space<hbm>>
        tpu.enqueue_dma source(%dma_start3A_17 : memref<112xi32, #tpu.memory_space<hbm>>) target(%arg5 : memref<112xi32, #tpu.memory_space<vmem>>) target_semaphore(%run_scoped3A : memref<!tpu.dma_semaphore, #tpu.memory_space<semaphore_mem>>)
        %dma_wait3A_18 = tpu.memref_slice %arg3[%add3A_11] : memref<50176xi32, #tpu.memory_space<hbm>> -> memref<112xi32, #tpu.memory_space<hbm>>
        %dma_wait3A_19 = tpu.memref_slice %arg3[%add3A_11] : memref<50176xi32, #tpu.memory_space<hbm>> -> memref<112xi32, #tpu.memory_space<hbm>>
        tpu.wait_dma2 semaphore(%run_scoped3A : memref<!tpu.dma_semaphore, #tpu.memory_space<semaphore_mem>>) src(%dma_wait3A_19 : memref<112xi32, #tpu.memory_space<hbm>>) dst(%arg5 : memref<112xi32, #tpu.memory_space<vmem>>)
        tpu.yield
      }) : () -> ()
      %dma_start3A = arith.constant 0 : i32
      %dma_start3A_12 = arith.constant 0 : i32
      %dma_start3A_13 = tpu.memref_slice %arg2[%dma_start3A, %dma_start3A_12] : memref<12544x128xf32, #tpu.memory_space<hbm>> -> memref<12544x128xf32, #tpu.memory_space<hbm>>
      tpu.enqueue_indirect_dma source(%dma_start3A_13 : memref<12544x128xf32, #tpu.memory_space<hbm>>) target(%arg6 : memref<112x128xf32, #tpu.memory_space<vmem>>) offsets(%arg5 : memref<112xi32, #tpu.memory_space<vmem>>) semaphore(%arg7 : memref<!tpu.dma_semaphore, #tpu.memory_space<semaphore_mem>>)
      %dma_wait3A = arith.constant 0 : i32
      %dma_wait3A_14 = arith.constant 0 : i32
      %dma_wait3A_15 = tpu.memref_slice %arg2[%dma_wait3A, %dma_wait3A_14] : memref<12544x128xf32, #tpu.memory_space<hbm>> -> memref<12544x128xf32, #tpu.memory_space<hbm>>
      tpu.wait_indirect_dma semaphore(%arg7 : memref<!tpu.dma_semaphore, #tpu.memory_space<semaphore_mem>>) src(%dma_wait3A_15 : memref<12544x128xf32, #tpu.memory_space<hbm>>) dst(%arg6 : memref<112x128xf32, #tpu.memory_space<vmem>>)
      "tpu.region"() ({
        %run_scoped3A = tpu.sem_alloc : memref<!tpu.dma_semaphore, #tpu.memory_space<semaphore_mem>>
        %dma_start3A_16 = arith.constant 0 : i32
        %dma_start3A_17 = tpu.memref_slice %arg4[%add3A_11, %dma_start3A_16] : memref<50176x128xf32, #tpu.memory_space<hbm>> -> memref<112x128xf32, #tpu.memory_space<hbm>>
        %dma_start3A_18 = arith.constant 0 : i32
        %dma_start3A_19 = tpu.memref_slice %arg4[%add3A_11, %dma_start3A_18] : memref<50176x128xf32, #tpu.memory_space<hbm>> -> memref<112x128xf32, #tpu.memory_space<hbm>>
        tpu.enqueue_dma source(%arg6 : memref<112x128xf32, #tpu.memory_space<vmem>>) target(%dma_start3A_19 : memref<112x128xf32, #tpu.memory_space<hbm>>) target_semaphore(%run_scoped3A : memref<!tpu.dma_semaphore, #tpu.memory_space<semaphore_mem>>)
        %dma_wait3A_20 = arith.constant 0 : i32
        %dma_wait3A_21 = tpu.memref_slice %arg4[%add3A_11, %dma_wait3A_20] : memref<50176x128xf32, #tpu.memory_space<hbm>> -> memref<112x128xf32, #tpu.memory_space<hbm>>
        %dma_wait3A_22 = arith.constant 0 : i32
        %dma_wait3A_23 = tpu.memref_slice %arg4[%add3A_11, %dma_wait3A_22] : memref<50176x128xf32, #tpu.memory_space<hbm>> -> memref<112x128xf32, #tpu.memory_space<hbm>>
        tpu.wait_dma2 semaphore(%run_scoped3A : memref<!tpu.dma_semaphore, #tpu.memory_space<semaphore_mem>>) src(%arg6 : memref<112x128xf32, #tpu.memory_space<vmem>>) dst(%dma_wait3A_23 : memref<112x128xf32, #tpu.memory_space<hbm>>)
        tpu.yield
      }) : () -> ()
    }
    %scan3A_7 = arith.constant 14 : i32
    return
  }
}

#map = affine_map<(d0, d1) -> (0, 0)>
#map1 = affine_map<(d0, d1) -> (0)>
module attributes {stable_mosaic.version = 14 : i64} {
  func.func @k(%arg0: i32, %arg1: i32, %arg2: memref<800x512xf32, #tpu.memory_space<hbm>>, %arg3: memref<3328xi32, #tpu.memory_space<hbm>>, %arg4: memref<3328x512xf32, #tpu.memory_space<hbm>>, %arg5: memref<104xi32, #tpu.memory_space<vmem>>, %arg6: memref<104x512xf32, #tpu.memory_space<vmem>>, %arg7: memref<!tpu.dma_semaphore, #tpu.memory_space<semaphore_mem>>) attributes {dimension_semantics = [#tpu.dimension_semantics<core_parallel>, #tpu.dimension_semantics<subcore_parallel>], iteration_bounds = array<i64: 2, 16>, scalar_prefetch = 0 : i64, scratch_operands = 3 : i64, tpu.core_type = #tpu.core_type<sc_vector_subcore>, window_params = [{transform_indices = #map}, {transform_indices = #map1}, {transform_indices = #map}]} {
    %mul3A = arith.constant 2 : i32
    %mul3A_0 = arith.muli %arg1, %mul3A : i32
    %add3A = arith.addi %mul3A_0, %arg0 : i32
    %mul3A_1 = arith.constant 104 : i32
    %mul3A_2 = arith.muli %add3A, %mul3A_1 : i32
    %scan3A = arith.constant 0 : i32
    %scan3A_3 = arith.constant 0 : i32
    %mul3A_4 = arith.constant 104 : i32
    %mul3A_5 = arith.muli %scan3A_3, %mul3A_4 : i32
    %add3A_6 = arith.addi %mul3A_2, %mul3A_5 : i32
    "tpu.region"() ({
      %run_scoped3A = tpu.sem_alloc : memref<!tpu.dma_semaphore, #tpu.memory_space<semaphore_mem>>
      %dma_start3A_12 = tpu.memref_slice %arg3[%add3A_6] : memref<3328xi32, #tpu.memory_space<hbm>> -> memref<104xi32, #tpu.memory_space<hbm>>
      %dma_start3A_13 = tpu.memref_slice %arg3[%add3A_6] : memref<3328xi32, #tpu.memory_space<hbm>> -> memref<104xi32, #tpu.memory_space<hbm>>
      tpu.enqueue_dma source(%dma_start3A_13 : memref<104xi32, #tpu.memory_space<hbm>>) target(%arg5 : memref<104xi32, #tpu.memory_space<vmem>>) target_semaphore(%run_scoped3A : memref<!tpu.dma_semaphore, #tpu.memory_space<semaphore_mem>>)
      %dma_wait3A_14 = tpu.memref_slice %arg3[%add3A_6] : memref<3328xi32, #tpu.memory_space<hbm>> -> memref<104xi32, #tpu.memory_space<hbm>>
      %dma_wait3A_15 = tpu.memref_slice %arg3[%add3A_6] : memref<3328xi32, #tpu.memory_space<hbm>> -> memref<104xi32, #tpu.memory_space<hbm>>
      tpu.wait_dma2 semaphore(%run_scoped3A : memref<!tpu.dma_semaphore, #tpu.memory_space<semaphore_mem>>) src(%dma_wait3A_15 : memref<104xi32, #tpu.memory_space<hbm>>) dst(%arg5 : memref<104xi32, #tpu.memory_space<vmem>>)
      tpu.yield
    }) : () -> ()
    %dma_start3A = arith.constant 0 : i32
    %dma_start3A_7 = arith.constant 0 : i32
    %dma_start3A_8 = tpu.memref_slice %arg2[%dma_start3A, %dma_start3A_7] : memref<800x512xf32, #tpu.memory_space<hbm>> -> memref<800x512xf32, #tpu.memory_space<hbm>>
    tpu.enqueue_indirect_dma source(%dma_start3A_8 : memref<800x512xf32, #tpu.memory_space<hbm>>) target(%arg6 : memref<104x512xf32, #tpu.memory_space<vmem>>) offsets(%arg5 : memref<104xi32, #tpu.memory_space<vmem>>) semaphore(%arg7 : memref<!tpu.dma_semaphore, #tpu.memory_space<semaphore_mem>>)
    %dma_wait3A = arith.constant 0 : i32
    %dma_wait3A_9 = arith.constant 0 : i32
    %dma_wait3A_10 = tpu.memref_slice %arg2[%dma_wait3A, %dma_wait3A_9] : memref<800x512xf32, #tpu.memory_space<hbm>> -> memref<800x512xf32, #tpu.memory_space<hbm>>
    tpu.wait_indirect_dma semaphore(%arg7 : memref<!tpu.dma_semaphore, #tpu.memory_space<semaphore_mem>>) src(%dma_wait3A_10 : memref<800x512xf32, #tpu.memory_space<hbm>>) dst(%arg6 : memref<104x512xf32, #tpu.memory_space<vmem>>)
    "tpu.region"() ({
      %run_scoped3A = tpu.sem_alloc : memref<!tpu.dma_semaphore, #tpu.memory_space<semaphore_mem>>
      %dma_start3A_12 = arith.constant 0 : i32
      %dma_start3A_13 = tpu.memref_slice %arg4[%add3A_6, %dma_start3A_12] : memref<3328x512xf32, #tpu.memory_space<hbm>> -> memref<104x512xf32, #tpu.memory_space<hbm>>
      %dma_start3A_14 = arith.constant 0 : i32
      %dma_start3A_15 = tpu.memref_slice %arg4[%add3A_6, %dma_start3A_14] : memref<3328x512xf32, #tpu.memory_space<hbm>> -> memref<104x512xf32, #tpu.memory_space<hbm>>
      tpu.enqueue_dma source(%arg6 : memref<104x512xf32, #tpu.memory_space<vmem>>) target(%dma_start3A_15 : memref<104x512xf32, #tpu.memory_space<hbm>>) target_semaphore(%run_scoped3A : memref<!tpu.dma_semaphore, #tpu.memory_space<semaphore_mem>>)
      %dma_wait3A_16 = arith.constant 0 : i32
      %dma_wait3A_17 = tpu.memref_slice %arg4[%add3A_6, %dma_wait3A_16] : memref<3328x512xf32, #tpu.memory_space<hbm>> -> memref<104x512xf32, #tpu.memory_space<hbm>>
      %dma_wait3A_18 = arith.constant 0 : i32
      %dma_wait3A_19 = tpu.memref_slice %arg4[%add3A_6, %dma_wait3A_18] : memref<3328x512xf32, #tpu.memory_space<hbm>> -> memref<104x512xf32, #tpu.memory_space<hbm>>
      tpu.wait_dma2 semaphore(%run_scoped3A : memref<!tpu.dma_semaphore, #tpu.memory_space<semaphore_mem>>) src(%arg6 : memref<104x512xf32, #tpu.memory_space<vmem>>) dst(%dma_wait3A_19 : memref<104x512xf32, #tpu.memory_space<hbm>>)
      tpu.yield
    }) : () -> ()
    %scan3A_11 = arith.constant 1 : i32
    return
  }
}

#map = affine_map<(d0, d1) -> (0, 0)>
#map1 = affine_map<(d0, d1) -> (0)>
module attributes {stable_mosaic.version = 14 : i64} {
  func.func @k(%arg0: i32, %arg1: i32, %arg2: memref<3328x256xf32, #tpu.memory_space<hbm>>, %arg3: memref<12544xi32, #tpu.memory_space<hbm>>, %arg4: memref<12544x256xf32, #tpu.memory_space<hbm>>, %arg5: memref<56xi32, #tpu.memory_space<vmem>>, %arg6: memref<56x256xf32, #tpu.memory_space<vmem>>, %arg7: memref<!tpu.dma_semaphore, #tpu.memory_space<semaphore_mem>>) attributes {dimension_semantics = [#tpu.dimension_semantics<core_parallel>, #tpu.dimension_semantics<subcore_parallel>], iteration_bounds = array<i64: 2, 16>, scalar_prefetch = 0 : i64, scratch_operands = 3 : i64, tpu.core_type = #tpu.core_type<sc_vector_subcore>, window_params = [{transform_indices = #map}, {transform_indices = #map1}, {transform_indices = #map}]} {
    %mul3A = arith.constant 2 : i32
    %mul3A_0 = arith.muli %arg1, %mul3A : i32
    %add3A = arith.addi %mul3A_0, %arg0 : i32
    %mul3A_1 = arith.constant 392 : i32
    %mul3A_2 = arith.muli %add3A, %mul3A_1 : i32
    %scan3A = arith.constant 0 : i32
    %scan3A_3 = arith.constant 0 : i32
    %scan3A_4 = arith.constant 7 : i32
    %scan3A_5 = arith.addi %scan3A_3, %scan3A_4 : i32
    %scan3A_6 = arith.constant 1 : i32
    scf.for %scan3A_8 = %scan3A_3 to %scan3A_5 step %scan3A_6  : i32 {
      %mul3A_9 = arith.constant 56 : i32
      %mul3A_10 = arith.muli %scan3A_8, %mul3A_9 : i32
      %add3A_11 = arith.addi %mul3A_2, %mul3A_10 : i32
      "tpu.region"() ({
        %run_scoped3A = tpu.sem_alloc : memref<!tpu.dma_semaphore, #tpu.memory_space<semaphore_mem>>
        %dma_start3A_16 = tpu.memref_slice %arg3[%add3A_11] : memref<12544xi32, #tpu.memory_space<hbm>> -> memref<56xi32, #tpu.memory_space<hbm>>
        %dma_start3A_17 = tpu.memref_slice %arg3[%add3A_11] : memref<12544xi32, #tpu.memory_space<hbm>> -> memref<56xi32, #tpu.memory_space<hbm>>
        tpu.enqueue_dma source(%dma_start3A_17 : memref<56xi32, #tpu.memory_space<hbm>>) target(%arg5 : memref<56xi32, #tpu.memory_space<vmem>>) target_semaphore(%run_scoped3A : memref<!tpu.dma_semaphore, #tpu.memory_space<semaphore_mem>>)
        %dma_wait3A_18 = tpu.memref_slice %arg3[%add3A_11] : memref<12544xi32, #tpu.memory_space<hbm>> -> memref<56xi32, #tpu.memory_space<hbm>>
        %dma_wait3A_19 = tpu.memref_slice %arg3[%add3A_11] : memref<12544xi32, #tpu.memory_space<hbm>> -> memref<56xi32, #tpu.memory_space<hbm>>
        tpu.wait_dma2 semaphore(%run_scoped3A : memref<!tpu.dma_semaphore, #tpu.memory_space<semaphore_mem>>) src(%dma_wait3A_19 : memref<56xi32, #tpu.memory_space<hbm>>) dst(%arg5 : memref<56xi32, #tpu.memory_space<vmem>>)
        tpu.yield
      }) : () -> ()
      %dma_start3A = arith.constant 0 : i32
      %dma_start3A_12 = arith.constant 0 : i32
      %dma_start3A_13 = tpu.memref_slice %arg2[%dma_start3A, %dma_start3A_12] : memref<3328x256xf32, #tpu.memory_space<hbm>> -> memref<3328x256xf32, #tpu.memory_space<hbm>>
      tpu.enqueue_indirect_dma source(%dma_start3A_13 : memref<3328x256xf32, #tpu.memory_space<hbm>>) target(%arg6 : memref<56x256xf32, #tpu.memory_space<vmem>>) offsets(%arg5 : memref<56xi32, #tpu.memory_space<vmem>>) semaphore(%arg7 : memref<!tpu.dma_semaphore, #tpu.memory_space<semaphore_mem>>)
      %dma_wait3A = arith.constant 0 : i32
      %dma_wait3A_14 = arith.constant 0 : i32
      %dma_wait3A_15 = tpu.memref_slice %arg2[%dma_wait3A, %dma_wait3A_14] : memref<3328x256xf32, #tpu.memory_space<hbm>> -> memref<3328x256xf32, #tpu.memory_space<hbm>>
      tpu.wait_indirect_dma semaphore(%arg7 : memref<!tpu.dma_semaphore, #tpu.memory_space<semaphore_mem>>) src(%dma_wait3A_15 : memref<3328x256xf32, #tpu.memory_space<hbm>>) dst(%arg6 : memref<56x256xf32, #tpu.memory_space<vmem>>)
      "tpu.region"() ({
        %run_scoped3A = tpu.sem_alloc : memref<!tpu.dma_semaphore, #tpu.memory_space<semaphore_mem>>
        %dma_start3A_16 = arith.constant 0 : i32
        %dma_start3A_17 = tpu.memref_slice %arg4[%add3A_11, %dma_start3A_16] : memref<12544x256xf32, #tpu.memory_space<hbm>> -> memref<56x256xf32, #tpu.memory_space<hbm>>
        %dma_start3A_18 = arith.constant 0 : i32
        %dma_start3A_19 = tpu.memref_slice %arg4[%add3A_11, %dma_start3A_18] : memref<12544x256xf32, #tpu.memory_space<hbm>> -> memref<56x256xf32, #tpu.memory_space<hbm>>
        tpu.enqueue_dma source(%arg6 : memref<56x256xf32, #tpu.memory_space<vmem>>) target(%dma_start3A_19 : memref<56x256xf32, #tpu.memory_space<hbm>>) target_semaphore(%run_scoped3A : memref<!tpu.dma_semaphore, #tpu.memory_space<semaphore_mem>>)
        %dma_wait3A_20 = arith.constant 0 : i32
        %dma_wait3A_21 = tpu.memref_slice %arg4[%add3A_11, %dma_wait3A_20] : memref<12544x256xf32, #tpu.memory_space<hbm>> -> memref<56x256xf32, #tpu.memory_space<hbm>>
        %dma_wait3A_22 = arith.constant 0 : i32
        %dma_wait3A_23 = tpu.memref_slice %arg4[%add3A_11, %dma_wait3A_22] : memref<12544x256xf32, #tpu.memory_space<hbm>> -> memref<56x256xf32, #tpu.memory_space<hbm>>
        tpu.wait_dma2 semaphore(%run_scoped3A : memref<!tpu.dma_semaphore, #tpu.memory_space<semaphore_mem>>) src(%arg6 : memref<56x256xf32, #tpu.memory_space<vmem>>) dst(%dma_wait3A_23 : memref<56x256xf32, #tpu.memory_space<hbm>>)
        tpu.yield
      }) : () -> ()
    }
    %scan3A_7 = arith.constant 7 : i32
    return
  }
}

module attributes {stable_mosaic.version = 14 : i64} {
  func.func @body(%arg0: memref<800x1024xf32, #tpu.memory_space<vmem>>, %arg1: memref<1024x512xf32, #tpu.memory_space<vmem>>, %arg2: memref<800x512xf32, #tpu.memory_space<vmem>>) attributes {dimension_semantics = [], scalar_prefetch = 0 : i64, scratch_operands = 0 : i64, tpu.core_type = #tpu.core_type<tc>} {
    %get3A = arith.constant 0 : index
    %get3A_0 = arith.constant 0 : index
    %get3A_1 = vector.load %arg0[%get3A, %get3A_0] : memref<800x1024xf32, #tpu.memory_space<vmem>>, vector<800x1024xf32>
    %get3A_2 = arith.constant 0 : index
    %get3A_3 = arith.constant 0 : index
    %get3A_4 = vector.load %arg1[%get3A_2, %get3A_3] : memref<1024x512xf32, #tpu.memory_space<vmem>>, vector<1024x512xf32>
    %dot_general3A = arith.constant dense<0.000000e+00> : vector<800x512xf32>
    %dot_general3A_5 = tpu.matmul %get3A_1, %get3A_4, %dot_general3A {dimension_numbers = #tpu.dot_dimension_numbers<[1], [0], [0], [1], [0, 0, 1, 1], [], []>, transpose_lhs_hint = false} : vector<800x1024xf32>, vector<1024x512xf32>, vector<800x512xf32> -> vector<800x512xf32>
    %swap3A = arith.constant 0 : index
    %swap3A_6 = arith.constant 0 : index
    %swap3A_7 = vector.load %arg2[%swap3A, %swap3A_6] : memref<800x512xf32, #tpu.memory_space<vmem>>, vector<800x512xf32>
    tpu.vector_store %arg2[%swap3A, %swap3A_6], %dot_general3A_5 {strides = array<i32>} : memref<800x512xf32, #tpu.memory_space<vmem>>, vector<800x512xf32>,
    return
  }
}

module attributes {stable_mosaic.version = 14 : i64} {
  func.func @body(%arg0: i32, %arg1: memref<256x512xf32, #tpu.memory_space<vmem>>, %arg2: memref<512x512xf32, #tpu.memory_space<vmem>>, %arg3: memref<1x512xf32, #tpu.memory_space<vmem>>, %arg4: memref<256x512xf32, #tpu.memory_space<vmem>>) attributes {dimension_semantics = [#tpu.dimension_semantics<arbitrary>], iteration_bounds = array<i64: 13>, scalar_prefetch = 0 : i64, scratch_operands = 0 : i64, tpu.core_type = #tpu.core_type<tc>, window_params = [{transform_indices = @transform_0, window_bounds = array<i64: 256, 512>}, {pipeline_mode = #tpu.pipeline_mode<synchronous>, transform_indices = @transform_1, window_bounds = array<i64: 512, 512>}, {pipeline_mode = #tpu.pipeline_mode<synchronous>, transform_indices = @transform_2, window_bounds = array<i64: 1, 512>}, {transform_indices = @transform_3, window_bounds = array<i64: 256, 512>}]} {
    %get3A = arith.constant 0 : index
    %get3A_0 = arith.constant 0 : index
    %get3A_1 = vector.load %arg1[%get3A, %get3A_0] : memref<256x512xf32, #tpu.memory_space<vmem>>, vector<256x512xf32>
    %get3A_2 = arith.constant 0 : index
    %get3A_3 = arith.constant 0 : index
    %get3A_4 = vector.load %arg2[%get3A_2, %get3A_3] : memref<512x512xf32, #tpu.memory_space<vmem>>, vector<512x512xf32>
    %dot_general3A = arith.constant dense<0.000000e+00> : vector<256x512xf32>
    %dot_general3A_5 = tpu.matmul %get3A_1, %get3A_4, %dot_general3A {dimension_numbers = #tpu.dot_dimension_numbers<[1], [0], [0], [1], [0, 0, 1, 1], [], []>, transpose_lhs_hint = false} : vector<256x512xf32>, vector<512x512xf32>, vector<256x512xf32> -> vector<256x512xf32>
    %get3A_6 = arith.constant 0 : index
    %get3A_7 = arith.constant 0 : index
    %get3A_8 = vector.load %arg3[%get3A_6, %get3A_7] : memref<1x512xf32, #tpu.memory_space<vmem>>, vector<1x512xf32>
    %add3A = vector.broadcast %get3A_8 : vector<1x512xf32> to vector<256x512xf32>
    %add3A_9 = arith.addf %dot_general3A_5, %add3A : vector<256x512xf32>
    %swap3A = arith.constant 0 : index
    %swap3A_10 = arith.constant 0 : index
    %swap3A_11 = vector.load %arg4[%swap3A, %swap3A_10] : memref<256x512xf32, #tpu.memory_space<vmem>>, vector<256x512xf32>
    tpu.vector_store %arg4[%swap3A, %swap3A_10], %add3A_9 {strides = array<i32>} : memref<256x512xf32, #tpu.memory_space<vmem>>, vector<256x512xf32>,
    return
  }
  func.func @transform_0(%arg0: i32) -> (i32, i32) {
    %c0_i32 = arith.constant 0 : i32
    %c0_i32_0 = arith.constant 0 : i32
    return %arg0, %c0_i32 : i32, i32
  }
  func.func @transform_1(%arg0: i32) -> (i32, i32) {
    %c0_i32 = arith.constant 0 : i32
    %c0_i32_0 = arith.constant 0 : i32
    %c0_i32_1 = arith.constant 0 : i32
    return %c0_i32, %c0_i32_0 : i32, i32
  }
  func.func @transform_2(%arg0: i32) -> (i32, i32) {
    %c0_i32 = arith.constant 0 : i32
    %c0_i32_0 = arith.constant 0 : i32
    %c0_i32_1 = arith.constant 0 : i32
    return %c0_i32, %c0_i32_0 : i32, i32
  }
  func.func @transform_3(%arg0: i32) -> (i32, i32) {
    %c0_i32 = arith.constant 0 : i32
    %c0_i32_0 = arith.constant 0 : i32
    return %arg0, %c0_i32 : i32, i32
  }
}

module attributes {stable_mosaic.version = 14 : i64} {
  func.func @body(%arg0: i32, %arg1: memref<256x512xf32, #tpu.memory_space<vmem>>, %arg2: memref<256x512xf32, #tpu.memory_space<vmem>>, %arg3: memref<512x256xf32, #tpu.memory_space<vmem>>, %arg4: memref<256x256xf32, #tpu.memory_space<vmem>>) attributes {dimension_semantics = [#tpu.dimension_semantics<arbitrary>], iteration_bounds = array<i64: 13>, scalar_prefetch = 0 : i64, scratch_operands = 0 : i64, tpu.core_type = #tpu.core_type<tc>, window_params = [{transform_indices = @transform_0, window_bounds = array<i64: 256, 512>}, {transform_indices = @transform_1, window_bounds = array<i64: 256, 512>}, {pipeline_mode = #tpu.pipeline_mode<synchronous>, transform_indices = @transform_2, window_bounds = array<i64: 512, 256>}, {transform_indices = @transform_3, window_bounds = array<i64: 256, 256>}]} {
    %get3A = arith.constant 0 : index
    %get3A_0 = arith.constant 0 : index
    %get3A_1 = vector.load %arg1[%get3A, %get3A_0] : memref<256x512xf32, #tpu.memory_space<vmem>>, vector<256x512xf32>
    %get3A_2 = arith.constant 0 : index
    %get3A_3 = arith.constant 0 : index
    %get3A_4 = vector.load %arg2[%get3A_2, %get3A_3] : memref<256x512xf32, #tpu.memory_space<vmem>>, vector<256x512xf32>
    %add3A = arith.addf %get3A_1, %get3A_4 : vector<256x512xf32>
    %mul3A = arith.constant 1.000000e-01 : f32
    %mul3A_5 = vector.broadcast %mul3A : f32 to vector<256x512xf32>
    %mul3A_6 = arith.mulf %mul3A_5, %add3A : vector<256x512xf32>
    %max3A = arith.maximumf %add3A, %mul3A_6 : vector<256x512xf32>
    %get3A_7 = arith.constant 0 : index
    %get3A_8 = arith.constant 0 : index
    %get3A_9 = vector.load %arg3[%get3A_7, %get3A_8] : memref<512x256xf32, #tpu.memory_space<vmem>>, vector<512x256xf32>
    %dot_general3A = arith.constant dense<0.000000e+00> : vector<256x256xf32>
    %dot_general3A_10 = tpu.matmul %max3A, %get3A_9, %dot_general3A {dimension_numbers = #tpu.dot_dimension_numbers<[1], [0], [0], [1], [0, 0, 1, 1], [], []>, transpose_lhs_hint = false} : vector<256x512xf32>, vector<512x256xf32>, vector<256x256xf32> -> vector<256x256xf32>
    %swap3A = arith.constant 0 : index
    %swap3A_11 = arith.constant 0 : index
    %swap3A_12 = vector.load %arg4[%swap3A, %swap3A_11] : memref<256x256xf32, #tpu.memory_space<vmem>>, vector<256x256xf32>
    tpu.vector_store %arg4[%swap3A, %swap3A_11], %dot_general3A_10 {strides = array<i32>} : memref<256x256xf32, #tpu.memory_space<vmem>>, vector<256x256xf32>,
    return
  }
  func.func @transform_0(%arg0: i32) -> (i32, i32) {
    %c0_i32 = arith.constant 0 : i32
    %c0_i32_0 = arith.constant 0 : i32
    return %arg0, %c0_i32 : i32, i32
  }
  func.func @transform_1(%arg0: i32) -> (i32, i32) {
    %c0_i32 = arith.constant 0 : i32
    %c0_i32_0 = arith.constant 0 : i32
    return %arg0, %c0_i32 : i32, i32
  }
  func.func @transform_2(%arg0: i32) -> (i32, i32) {
    %c0_i32 = arith.constant 0 : i32
    %c0_i32_0 = arith.constant 0 : i32
    %c0_i32_1 = arith.constant 0 : i32
    return %c0_i32, %c0_i32_0 : i32, i32
  }
  func.func @transform_3(%arg0: i32) -> (i32, i32) {
    %c0_i32 = arith.constant 0 : i32
    %c0_i32_0 = arith.constant 0 : i32
    return %arg0, %c0_i32 : i32, i32
  }
}

module attributes {stable_mosaic.version = 14 : i64} {
  func.func @body(%arg0: i32, %arg1: memref<256x256xf32, #tpu.memory_space<vmem>>, %arg2: memref<256x256xf32, #tpu.memory_space<vmem>>, %arg3: memref<1x256xf32, #tpu.memory_space<vmem>>, %arg4: memref<256x256xf32, #tpu.memory_space<vmem>>) attributes {dimension_semantics = [#tpu.dimension_semantics<arbitrary>], iteration_bounds = array<i64: 49>, scalar_prefetch = 0 : i64, scratch_operands = 0 : i64, tpu.core_type = #tpu.core_type<tc>, window_params = [{transform_indices = @transform_0, window_bounds = array<i64: 256, 256>}, {pipeline_mode = #tpu.pipeline_mode<synchronous>, transform_indices = @transform_1, window_bounds = array<i64: 256, 256>}, {pipeline_mode = #tpu.pipeline_mode<synchronous>, transform_indices = @transform_2, window_bounds = array<i64: 1, 256>}, {transform_indices = @transform_3, window_bounds = array<i64: 256, 256>}]} {
    %get3A = arith.constant 0 : index
    %get3A_0 = arith.constant 0 : index
    %get3A_1 = vector.load %arg1[%get3A, %get3A_0] : memref<256x256xf32, #tpu.memory_space<vmem>>, vector<256x256xf32>
    %get3A_2 = arith.constant 0 : index
    %get3A_3 = arith.constant 0 : index
    %get3A_4 = vector.load %arg2[%get3A_2, %get3A_3] : memref<256x256xf32, #tpu.memory_space<vmem>>, vector<256x256xf32>
    %dot_general3A = arith.constant dense<0.000000e+00> : vector<256x256xf32>
    %dot_general3A_5 = tpu.matmul %get3A_1, %get3A_4, %dot_general3A {dimension_numbers = #tpu.dot_dimension_numbers<[1], [0], [0], [1], [0, 0, 1, 1], [], []>, transpose_lhs_hint = false} : vector<256x256xf32>, vector<256x256xf32>, vector<256x256xf32> -> vector<256x256xf32>
    %get3A_6 = arith.constant 0 : index
    %get3A_7 = arith.constant 0 : index
    %get3A_8 = vector.load %arg3[%get3A_6, %get3A_7] : memref<1x256xf32, #tpu.memory_space<vmem>>, vector<1x256xf32>
    %add3A = vector.broadcast %get3A_8 : vector<1x256xf32> to vector<256x256xf32>
    %add3A_9 = arith.addf %dot_general3A_5, %add3A : vector<256x256xf32>
    %swap3A = arith.constant 0 : index
    %swap3A_10 = arith.constant 0 : index
    %swap3A_11 = vector.load %arg4[%swap3A, %swap3A_10] : memref<256x256xf32, #tpu.memory_space<vmem>>, vector<256x256xf32>
    tpu.vector_store %arg4[%swap3A, %swap3A_10], %add3A_9 {strides = array<i32>} : memref<256x256xf32, #tpu.memory_space<vmem>>, vector<256x256xf32>,
    return
  }
  func.func @transform_0(%arg0: i32) -> (i32, i32) {
    %c0_i32 = arith.constant 0 : i32
    %c0_i32_0 = arith.constant 0 : i32
    return %arg0, %c0_i32 : i32, i32
  }
  func.func @transform_1(%arg0: i32) -> (i32, i32) {
    %c0_i32 = arith.constant 0 : i32
    %c0_i32_0 = arith.constant 0 : i32
    %c0_i32_1 = arith.constant 0 : i32
    return %c0_i32, %c0_i32_0 : i32, i32
  }
  func.func @transform_2(%arg0: i32) -> (i32, i32) {
    %c0_i32 = arith.constant 0 : i32
    %c0_i32_0 = arith.constant 0 : i32
    %c0_i32_1 = arith.constant 0 : i32
    return %c0_i32, %c0_i32_0 : i32, i32
  }
  func.func @transform_3(%arg0: i32) -> (i32, i32) {
    %c0_i32 = arith.constant 0 : i32
    %c0_i32_0 = arith.constant 0 : i32
    return %arg0, %c0_i32 : i32, i32
  }
}

module attributes {stable_mosaic.version = 14 : i64} {
  func.func @body(%arg0: i32, %arg1: memref<256x256xf32, #tpu.memory_space<vmem>>, %arg2: memref<256x256xf32, #tpu.memory_space<vmem>>, %arg3: memref<256x128xf32, #tpu.memory_space<vmem>>, %arg4: memref<256x128xf32, #tpu.memory_space<vmem>>) attributes {dimension_semantics = [#tpu.dimension_semantics<arbitrary>], iteration_bounds = array<i64: 49>, scalar_prefetch = 0 : i64, scratch_operands = 0 : i64, tpu.core_type = #tpu.core_type<tc>, window_params = [{transform_indices = @transform_0, window_bounds = array<i64: 256, 256>}, {transform_indices = @transform_1, window_bounds = array<i64: 256, 256>}, {pipeline_mode = #tpu.pipeline_mode<synchronous>, transform_indices = @transform_2, window_bounds = array<i64: 256, 128>}, {transform_indices = @transform_3, window_bounds = array<i64: 256, 128>}]} {
    %get3A = arith.constant 0 : index
    %get3A_0 = arith.constant 0 : index
    %get3A_1 = vector.load %arg1[%get3A, %get3A_0] : memref<256x256xf32, #tpu.memory_space<vmem>>, vector<256x256xf32>
    %get3A_2 = arith.constant 0 : index
    %get3A_3 = arith.constant 0 : index
    %get3A_4 = vector.load %arg2[%get3A_2, %get3A_3] : memref<256x256xf32, #tpu.memory_space<vmem>>, vector<256x256xf32>
    %add3A = arith.addf %get3A_1, %get3A_4 : vector<256x256xf32>
    %mul3A = arith.constant 1.000000e-01 : f32
    %mul3A_5 = vector.broadcast %mul3A : f32 to vector<256x256xf32>
    %mul3A_6 = arith.mulf %mul3A_5, %add3A : vector<256x256xf32>
    %max3A = arith.maximumf %add3A, %mul3A_6 : vector<256x256xf32>
    %get3A_7 = arith.constant 0 : index
    %get3A_8 = arith.constant 0 : index
    %get3A_9 = vector.load %arg3[%get3A_7, %get3A_8] : memref<256x128xf32, #tpu.memory_space<vmem>>, vector<256x128xf32>
    %dot_general3A = arith.constant dense<0.000000e+00> : vector<256x128xf32>
    %dot_general3A_10 = tpu.matmul %max3A, %get3A_9, %dot_general3A {dimension_numbers = #tpu.dot_dimension_numbers<[1], [0], [0], [1], [0, 0, 1, 1], [], []>, transpose_lhs_hint = false} : vector<256x256xf32>, vector<256x128xf32>, vector<256x128xf32> -> vector<256x128xf32>
    %swap3A = arith.constant 0 : index
    %swap3A_11 = arith.constant 0 : index
    %swap3A_12 = vector.load %arg4[%swap3A, %swap3A_11] : memref<256x128xf32, #tpu.memory_space<vmem>>, vector<256x128xf32>
    tpu.vector_store %arg4[%swap3A, %swap3A_11], %dot_general3A_10 {strides = array<i32>} : memref<256x128xf32, #tpu.memory_space<vmem>>, vector<256x128xf32>,
    return
  }
  func.func @transform_0(%arg0: i32) -> (i32, i32) {
    %c0_i32 = arith.constant 0 : i32
    %c0_i32_0 = arith.constant 0 : i32
    return %arg0, %c0_i32 : i32, i32
  }
  func.func @transform_1(%arg0: i32) -> (i32, i32) {
    %c0_i32 = arith.constant 0 : i32
    %c0_i32_0 = arith.constant 0 : i32
    return %arg0, %c0_i32 : i32, i32
  }
  func.func @transform_2(%arg0: i32) -> (i32, i32) {
    %c0_i32 = arith.constant 0 : i32
    %c0_i32_0 = arith.constant 0 : i32
    %c0_i32_1 = arith.constant 0 : i32
    return %c0_i32, %c0_i32_0 : i32, i32
  }
  func.func @transform_3(%arg0: i32) -> (i32, i32) {
    %c0_i32 = arith.constant 0 : i32
    %c0_i32_0 = arith.constant 0 : i32
    return %arg0, %c0_i32 : i32, i32
  }
}

module attributes {stable_mosaic.version = 14 : i64} {
  func.func @body(%arg0: i32, %arg1: memref<256x128xf32, #tpu.memory_space<vmem>>, %arg2: memref<128x128xf32, #tpu.memory_space<vmem>>, %arg3: memref<1x128xf32, #tpu.memory_space<vmem>>, %arg4: memref<256x128xf32, #tpu.memory_space<vmem>>) attributes {dimension_semantics = [#tpu.dimension_semantics<arbitrary>], iteration_bounds = array<i64: 196>, scalar_prefetch = 0 : i64, scratch_operands = 0 : i64, tpu.core_type = #tpu.core_type<tc>, window_params = [{transform_indices = @transform_0, window_bounds = array<i64: 256, 128>}, {pipeline_mode = #tpu.pipeline_mode<synchronous>, transform_indices = @transform_1, window_bounds = array<i64: 128, 128>}, {pipeline_mode = #tpu.pipeline_mode<synchronous>, transform_indices = @transform_2, window_bounds = array<i64: 1, 128>}, {transform_indices = @transform_3, window_bounds = array<i64: 256, 128>}]} {
    %get3A = arith.constant 0 : index
    %get3A_0 = arith.constant 0 : index
    %get3A_1 = vector.load %arg1[%get3A, %get3A_0] : memref<256x128xf32, #tpu.memory_space<vmem>>, vector<256x128xf32>
    %get3A_2 = arith.constant 0 : index
    %get3A_3 = arith.constant 0 : index
    %get3A_4 = vector.load %arg2[%get3A_2, %get3A_3] : memref<128x128xf32, #tpu.memory_space<vmem>>, vector<128x128xf32>
    %dot_general3A = arith.constant dense<0.000000e+00> : vector<256x128xf32>
    %dot_general3A_5 = tpu.matmul %get3A_1, %get3A_4, %dot_general3A {dimension_numbers = #tpu.dot_dimension_numbers<[1], [0], [0], [1], [0, 0, 1, 1], [], []>, transpose_lhs_hint = false} : vector<256x128xf32>, vector<128x128xf32>, vector<256x128xf32> -> vector<256x128xf32>
    %get3A_6 = arith.constant 0 : index
    %get3A_7 = arith.constant 0 : index
    %get3A_8 = vector.load %arg3[%get3A_6, %get3A_7] : memref<1x128xf32, #tpu.memory_space<vmem>>, vector<1x128xf32>
    %add3A = vector.broadcast %get3A_8 : vector<1x128xf32> to vector<256x128xf32>
    %add3A_9 = arith.addf %dot_general3A_5, %add3A : vector<256x128xf32>
    %swap3A = arith.constant 0 : index
    %swap3A_10 = arith.constant 0 : index
    %swap3A_11 = vector.load %arg4[%swap3A, %swap3A_10] : memref<256x128xf32, #tpu.memory_space<vmem>>, vector<256x128xf32>
    tpu.vector_store %arg4[%swap3A, %swap3A_10], %add3A_9 {strides = array<i32>} : memref<256x128xf32, #tpu.memory_space<vmem>>, vector<256x128xf32>,
    return
  }
  func.func @transform_0(%arg0: i32) -> (i32, i32) {
    %c0_i32 = arith.constant 0 : i32
    %c0_i32_0 = arith.constant 0 : i32
    return %arg0, %c0_i32 : i32, i32
  }
  func.func @transform_1(%arg0: i32) -> (i32, i32) {
    %c0_i32 = arith.constant 0 : i32
    %c0_i32_0 = arith.constant 0 : i32
    %c0_i32_1 = arith.constant 0 : i32
    return %c0_i32, %c0_i32_0 : i32, i32
  }
  func.func @transform_2(%arg0: i32) -> (i32, i32) {
    %c0_i32 = arith.constant 0 : i32
    %c0_i32_0 = arith.constant 0 : i32
    %c0_i32_1 = arith.constant 0 : i32
    return %c0_i32, %c0_i32_0 : i32, i32
  }
  func.func @transform_3(%arg0: i32) -> (i32, i32) {
    %c0_i32 = arith.constant 0 : i32
    %c0_i32_0 = arith.constant 0 : i32
    return %arg0, %c0_i32 : i32, i32
  }
}

module attributes {stable_mosaic.version = 14 : i64} {
  func.func @body(%arg0: i32, %arg1: memref<256x128xf32, #tpu.memory_space<vmem>>, %arg2: memref<256x128xf32, #tpu.memory_space<vmem>>, %arg3: memref<256x128xf32, #tpu.memory_space<vmem>>) attributes {dimension_semantics = [#tpu.dimension_semantics<arbitrary>], iteration_bounds = array<i64: 196>, scalar_prefetch = 0 : i64, scratch_operands = 0 : i64, tpu.core_type = #tpu.core_type<tc>, window_params = [{transform_indices = @transform_0, window_bounds = array<i64: 256, 128>}, {transform_indices = @transform_1, window_bounds = array<i64: 256, 128>}, {transform_indices = @transform_2, window_bounds = array<i64: 256, 128>}]} {
    %get3A = arith.constant 0 : index
    %get3A_0 = arith.constant 0 : index
    %get3A_1 = vector.load %arg1[%get3A, %get3A_0] : memref<256x128xf32, #tpu.memory_space<vmem>>, vector<256x128xf32>
    %get3A_2 = arith.constant 0 : index
    %get3A_3 = arith.constant 0 : index
    %get3A_4 = vector.load %arg2[%get3A_2, %get3A_3] : memref<256x128xf32, #tpu.memory_space<vmem>>, vector<256x128xf32>
    %add3A = arith.addf %get3A_1, %get3A_4 : vector<256x128xf32>
    %mul3A = arith.constant 1.000000e-01 : f32
    %mul3A_5 = vector.broadcast %mul3A : f32 to vector<256x128xf32>
    %mul3A_6 = arith.mulf %mul3A_5, %add3A : vector<256x128xf32>
    %max3A = arith.maximumf %add3A, %mul3A_6 : vector<256x128xf32>
    %swap3A = arith.constant 0 : index
    %swap3A_7 = arith.constant 0 : index
    %swap3A_8 = vector.load %arg3[%swap3A, %swap3A_7] : memref<256x128xf32, #tpu.memory_space<vmem>>, vector<256x128xf32>
    tpu.vector_store %arg3[%swap3A, %swap3A_7], %max3A {strides = array<i32>} : memref<256x128xf32, #tpu.memory_space<vmem>>, vector<256x128xf32>,
    return
  }
  func.func @transform_0(%arg0: i32) -> (i32, i32) {
    %c0_i32 = arith.constant 0 : i32
    %c0_i32_0 = arith.constant 0 : i32
    return %arg0, %c0_i32 : i32, i32
  }
  func.func @transform_1(%arg0: i32) -> (i32, i32) {
    %c0_i32 = arith.constant 0 : i32
    %c0_i32_0 = arith.constant 0 : i32
    return %arg0, %c0_i32 : i32, i32
  }
  func.func @transform_2(%arg0: i32) -> (i32, i32) {
    %c0_i32 = arith.constant 0 : i32
    %c0_i32_0 = arith.constant 0 : i32
    return %arg0, %c0_i32 : i32, i32
  }
}

</mosaic_0001>

<sc_bundles>
// kernel: kernel.12.cloned.1.call-start
scs
__scs_entry_jumppad:
0x0: {  	(pc) =	sbr.rel $0x88, $3  }
0x1: {  	(tag) =	ssettag $0x0;
	lr =	simm.s32 $0x1  }
0x2: {  	[smem:$0x3F94] =	sst lr;
	_ =	strace $0xD0000000  }
0x3: {  	_ = 	snop  }
0x4: {  	_ = 	snop  }
0x5: {  	_ = 	snop  }
0x6: {  	_ = 	snop  }
0x7: {  	_ = 	snop  }
__scs_overlays_trampoline_lowered:
0x8: {  	[smem:$0x3FA3] =	sst s0  }
0x9: {  	[smem:$0x3FA4] =	sst s1  }
0xa: {  	[smem:$0x3FA5] =	sst s2  }
0xb: {  	[smem:$0x3FA6] =	sst s3  }
0xc: {  	[smem:$0x3FA7] =	sst s4  }
0xd: {  	[smem:$0x3FA8] =	sst s5  }
0xe: {  	[smem:$0x3FA9] =	sst s6  }
0xf: {  	[smem:$0x3FAA] =	sst s7  }
0x10: {  	[smem:$0x3FAB] =	sst s8  }
0x11: {  	[smem:$0x3FAC] =	sst s9;
	s0 =	simm.s32 @!p0 $0x0  }
0x12: {  	s1 =	sld [smem:$0x3F92];
	s0 =	simm.s32 @p0 $0x1  }
0x13: {  	[smem:$0x3FAD] =	sst s0;
	s0 =	simm.s32 @!p1 $0x0  }
0x14: {  	s2 =	sld [smem:$0x3F91];
	s0 =	simm.s32 @p1 $0x1  }
0x15: {  	[smem:$0x3FAE] =	sst s0;
	s0 =	simm.s32 @!p2 $0x0  }
0x16: {  	s3 =	sld [smem:$0x3FDB];
	s0 =	simm.s32 @p2 $0x1  }
0x17: {  	s4 =	simm.s32 $0x1BF5;
	[smem:$0x3FB0] =	sst s0  }
0x18: {  	s0 =	sld [smem:$0x3F93];
	_ =	swait.ge [sflag:s4], $0x0  }
0x19: {  	s7 =	sld [smem:$0x3F94]  }
0x1a: {  	s8 =	sadd.s32 $0xFFFFE003, lr  }
0x1b: {  	s9 =	sadd.s32 $0xFFFFFEF7, lr;
	s5 =	simm.s32 $0xFFFFFFFF;
	p2 =	slt.u32 s8, $0xFFFFF086  }
0x1c: {  	p1 =	slt.u32 s9, $0xF7A;
	s5 =	simm.s32 @!p2 $0x0  }
0x1d: {  	s5 =	simm.s32 @p1 $0x1;
	p0 =	seq.s32 s7, s2  }
0x1e: {  	s7 =	smul.u32 @!p0 $0xF7A, s2;
	p2 =	seq.s32 @!p0 s5, $0x0  }
0x1f: {  	s9 =	smul.u32 $0xF7A, s1;
	s8 =	simm.s32 @!p0 $0x1BF5;
	p2 =	por !p2, p0  }
0x20: {  	[sflag:s8] =	ssyncset.s32 @!p0 $0xFFFFF086;
	s6 =	sadd.s32 @!p0 s3, s7;
	s7 =	simm.s32 @!p0 $0x108  }
0x21: {  	s3 =	sadd.s32 s3, s9;
	s6 =	sadd.s32 @!p0 $0x88, s6;
	s7 =	simm.s32 @p2 $0x1082  }
0x22: {  	[simem:s7], [sflag:s8] =	dma.local @!p0 [hbm:s6], $0xF7A  }
0x23: {  	s9 =	sor.u32 $0xD0000000, s2;
	s6 =	simm.s32 $0x108;
	_ =	swait.ge @!p0 [sflag:s8], $0x0  }
0x24: {  	s3 =	sadd.s32 $0x88, s3;
	s6 =	simm.s32 @!p1 $0x1082;
	[sflag:s4] =	ssyncset.s32 $0xFFFFF086  }
0x25: {  	[simem:s6], [sflag:s4] =	dma.local [hbm:s3], $0xF7A  }
0x26: {  	[smem:$0x3F94] =	sst s1;
	(tag) =	ssettag s2;
	_ =	strace s9  }
0x27: {  	s1 =	sld [smem:$0x3FA4]  }
0x28: {  	s2 =	sld [smem:$0x3FA5]  }
0x29: {  	s4 =	sld [smem:$0x3FA7]  }
0x2a: {  	p0 =	seq.s32 s5, $0x0;
	s5 =	sld [smem:$0x3FA8]  }
0x2b: {  	s6 =	sld [smem:$0x3FA9]  }
0x2c: {  	s7 =	sld [smem:$0x3FAA]  }
0x2d: {  	s3 =	simm.s32 $0x108;
	s8 =	sld [smem:$0x3FAB]  }
0x2e: {  	s3 =	simm.s32 @!p0 $0x1082;
	s9 =	sld [smem:$0x3FAC]  }
0x2f: {  	lr =	sadd.s32 s0, s3;
	s0 =	sld [smem:$0x3FA3]  }
0x30: {  	s3 =	sld [smem:$0x3FA6]  }
0x31: {  	[smem:$0x3FAF] =	sst s10  }
0x32: {  	s10 =	sld [smem:$0x3FAD];
	_ =	sdelay $0x3  }
0x33: {  	p0 =	seq.s32 s10, $0x1;
	s10 =	sld [smem:$0x3FAF];
	_ =	sdelay $0x3  }
0x34: {  	[smem:$0x3FAF] =	sst s10  }
0x35: {  	s10 =	sld [smem:$0x3FAE];
	_ =	sdelay $0x3  }
0x36: {  	p1 =	seq.s32 s10, $0x1;
	s10 =	sld [smem:$0x3FAF];
	_ =	sdelay $0x3  }
0x37: {  	[smem:$0x3FAF] =	sst s10  }
0x38: {  	s10 =	sld [smem:$0x3FB0]  }
0x39: {  	_ = 	snop;
	(pc) =	sbr.ind lr, $3  }
0x3a: {  	_ = 	snop  }
0x3b: {  	_ = 	snop  }
0x3c: {  	p2 =	seq.s32 s10, $0x1;
	s10 =	sld [smem:$0x3FAF]  }
0x3d: {  	_ =	shalt  }
0x3e: {  	_ =	shalt  }
0x3f: {  	_ =	shalt  }
0x40: {  	_ =	shalt  }
0x41: {  	_ =	shalt  }
0x42: {  	_ =	shalt  }
0x43: {  	_ =	shalt  }
0x44: {  	_ =	shalt  }
0x45: {  	_ =	shalt  }
0x46: {  	_ =	shalt  }
0x47: {  	_ =	shalt  }
0x48: {  	_ =	shalt  }
0x49: {  	_ =	shalt  }
0x4a: {  	_ =	shalt  }
0x4b: {  	_ =	shalt  }
0x4c: {  	_ =	shalt  }
0x4d: {  	_ =	shalt  }
0x4e: {  	_ =	shalt  }
0x4f: {  	_ =	shalt  }
0x50: {  	_ =	shalt  }
0x51: {  	_ =	shalt  }
0x52: {  	_ =	shalt  }
0x53: {  	_ =	shalt  }
0x54: {  	_ =	shalt  }
0x55: {  	_ =	shalt  }
0x56: {  	_ =	shalt  }
0x57: {  	_ =	shalt  }
0x58: {  	_ =	shalt  }
0x59: {  	_ =	shalt  }
0x5a: {  	_ =	shalt  }
0x5b: {  	_ =	shalt  }
0x5c: {  	_ =	shalt  }
0x5d: {  	_ =	shalt  }
0x5e: {  	_ =	shalt  }
0x5f: {  	_ =	shalt  }
0x60: {  	_ =	shalt  }
0x61: {  	_ =	shalt  }
0x62: {  	_ =	shalt  }
0x63: {  	_ =	shalt  }
0x64: {  	_ =	shalt  }
0x65: {  	_ =	shalt  }
0x66: {  	_ =	shalt  }
0x67: {  	_ =	shalt  }
0x68: {  	_ =	shalt  }
0x69: {  	_ =	shalt  }
0x6a: {  	_ =	shalt  }
0x6b: {  	_ =	shalt  }
0x6c: {  	_ =	shalt  }
0x6d: {  	_ =	shalt  }
0x6e: {  	_ =	shalt  }
0x6f: {  	_ =	shalt  }
0x70: {  	_ =	shalt  }
0x71: {  	_ =	shalt  }
0x72: {  	_ =	shalt  }
0x73: {  	_ =	shalt  }
0x74: {  	_ =	shalt  }
0x75: {  	_ =	shalt  }
0x76: {  	_ =	shalt  }
0x77: {  	_ =	shalt  }
0x78: {  	_ =	shalt  }
0x79: {  	_ =	shalt  }
0x7a: {  	_ =	shalt  }
0x7b: {  	_ =	shalt  }
0x7c: {  	_ =	shalt  }
0x7d: {  	_ =	shalt  }
0x7e: {  	_ =	shalt  }
0x7f: {  	_ =	shalt  }
0x80: {  	_ =	shalt  }
0x81: {  	_ =	shalt  }
0x82: {  	_ =	shalt  }
0x83: {  	_ =	shalt  }
0x84: {  	_ =	shalt  }
0x85: {  	_ =	shalt  }
0x86: {  	_ =	shalt  }
0x87: {  	_ =	shalt  }
.Lfunc_end0:
.L_simem_size_0:
called_computation_lowered:
.L_overlay_start_0:
0x88: {  	s2 =	sld [smem:$0x3FD9]  }
0x89: {  	s3 =	sld [smem:$0x3FFE];
	_ =	sdelay $0x1  }
0x8a: {  	s1 =	srdreg.scid  }
0x8b: {  	s0 =	sand.u32 $0x1, s1  }
0x8c: {  	s17 =	sshll.u32 s0, $0xA;
	s2 =	sadd.s32 s3, s2  }
0x8d: {  	s2 =	sadd.s32 s2, s17  }
0x8e: {  	[smem:$0x3FBB] =	sst s2  }
0x8f: {  	_ = 	snop  }
0x90: {  	s2 =	sld [smem:$0x3FD0];
	(tm) =	ssettm $0x1  }
0x91: {  	s18 =	sld [smem:$0x3FFB];
	_ =	sdelay $0x3  }
0x92: {  	_ =	strace s18  }
0x93: {  	s3 =	sld [smem:$0x3FFC];
	_ =	sdelay $0x3  }
0x94: {  	_ =	strace s3  }
0x95: {  	s3 =	sld [smem:$0x3FFD];
	_ =	sdelay $0x3  }
0x96: {  	_ =	strace s3  }
0x97: {  	_ =	strace $0x8FFFFFFF  }
0x98: {  	s19 =	sld [smem:$0x3FDB];
	_ =	sdelay $0x1  }
0x99: {  	s4 =	simm.s32 $_scs_section_size  }
0x9a: {  	s5 =	simm.s32 $_size__tile_overlayer_lowered;
	s6 =	simm.s32 $_tile_overlayer_lowered  }
0x9b: {  	s22 =	simm.s32 $0x1BFF;
	s21 =	sshll.u32 s6, $0x1;
	s3 =	sadd.s32 s4, s19  }
0x9c: {  	s7 =	simm.s32 $0x0;
	s20 =	sshll.u32 s5, $0x1;
	s5 =	sadd.s32 s21, s3  }
0x9d: {  	[timem:s7], [sflag:s22] =	dma.local [hbm:s5], s20  }
0x9e: {  	_ =	swait.ge [sflag:s22], s20  }
0x9f: {  	s4 =	ssub.s32 $0x0, s20;
	[sflag:s22] =	ssyncset.done $0x0  }
0xa0: {  	[sflag:s22] =	ssyncadd.s32 s4;
	_ =	sdelay $0x1  }
0xa1: {  	s23 =	simm.s32 $0x1B8B  }
0xa2: {  	_ =	swait.ge [sflag:s23], $0x1  }
0xa3: {  	[sflag:s23] =	ssyncset.done $0x0  }
0xa4: {  	s25 =	simm.s32 $0x1B8E;
	s24 =	sld [smem:$0x3FFE];
	[sflag:s23] =	ssyncadd.s32 $0xFFFFFFFF  }
0xa5: {  	s26 =	simm.s32 $execute0_lowered;
	[smem:$0x3FD2] =	sst s25  }
0xa6: {  	s5 =	sshll.u32 s26, $0x1;
	_ =	strace $0x80000046;
	[dreg:$0x1] =	wrdreg $0xFFFFFFFF  }
0xa7: {  	s28 =	simm.s32 $_size_execute0_lowered;
	s3 =	sadd.s32 s3, s5;
	[dreg:$0x0] =	wrdreg $0x0  }
0xa8: {  	s5 =	sshll.u32 s28, $0x1;
	[dreg:$0x2] =	wrdreg s3  }
0xa9: {  	[dreg:$0x3] =	wrdreg s5  }
0xaa: {  	[dreg:$0x4] =	wrdreg $0xC0  }
0xab: {  	_ =	task [dreg:s7], $0x5FFFF  }
0xac: {  	[dreg:$0x1] =	wrdreg $0xFFFFFFFF  }
0xad: {  	[dreg:$0x0] =	wrdreg $0x60  }
0xae: {  	[dreg:$0x2] =	wrdreg s24  }
0xaf: {  	[dreg:$0x3] =	wrdreg s2  }
0xb0: {  	[dreg:$0x4] =	wrdreg $0x9  }
0xb1: {  	_ =	task.clear_ibuf [dreg:s7], $0x5FFFF;
	_ =	strace $0x90000046  }
0xb2: {  	s29 =	simm.s32 $0x9;
	_ =	strace $0x80000048  }
0xb3: {  	_ =	swait.ge [sflag:s29], $0x1  }
0xb4: {  	[sflag:s29] =	ssyncadd.s32 $0xFFFFFFFF  }
0xb5: {  	_ =	strace $0x90000048  }
0xb6: {  	_ =	sfence  }
0xb7: {  	s30 =	sld [smem:$0x0];
	_ =	sdelay $0x2  }
0xb8: {  	s31 =	sshll.u32 s1, $0xD;
	s1 =	sshrl.u32 s1, $0x2  }
0xb9: {  	s3 =	sand.u32 $0x4000, s31;
	s1 =	sadd.s32 s1, s30  }
0xba: {  	s0 =	sor.u32 s3, s0;
	s1 =	sshll.u32 s1, $0x11  }
0xbb: {  	s0 =	sor.u32 s1, s0  }
0xbc: {  	s0 =	sadd.s32 $0x8F2B, s0  }
0xbd: {  	[sflag:s0] =	ssyncadd.remote.s32 $0x1  }
0xbe: {  	_ =	sfence.sel $0xFFFF  }
0xbf: {  	[dreg:$0x0] =	wrdreg $0xFFFFFFFF;
	(pc) =	sbr.abs _section_cstart, $3  }
0xc0: {  	[dreg:$0x1] =	wrdreg $0xFFFFFFFF  }
0xc1: {  	_ =	task.clear_ibuf [dreg:s7], $0x2FFFF;
	_ =	strace $0x9FFFFFFF  }
0xc2: {  	(tm) =	ssettm $0x7FFFFFFF  }
0xc3: {  	_ =	shalt  }
tec
execute0_lowered:
.L_overlay_start_1:
0x0: {  	(tag) =	ssettag $0x1  }
0x1: {  	s1 =	rddreg [dreg:$0x0];
	s2 =	srdreg.scid  }
0x2: {  	s0 =	stileid.u32;
	s4 =	rddreg [dreg:$0x1]  }
0x3: {  	s25 =	simm.s32 $0x880;
	s26 =	simm.s32 $0x1080;
	s9 =	simm.s32 $0x2080  }
0x4: {  	s10 =	simm.s32 $0x2880;
	s11 =	simm.s32 $0x3080;
	s12 =	simm.s32 $0x3880  }
0x5: {  	s13 =	simm.s32 $0x4080;
	s14 =	simm.s32 $0x4880;
	s15 =	simm.s32 $0x5080  }
0x6: {  	s16 =	simm.s32 $0x5880;
	s17 =	simm.s32 $0x6080;
	s18 =	simm.s32 $0x6880  }
0x7: {  	s19 =	simm.s32 $0x7080;
	s20 =	simm.s32 $0x7880;
	s21 =	simm.s32 $0x8080  }
0x8: {  	s22 =	simm.s32 $0x8880;
	s23 =	simm.s32 $0x9080;
	s24 =	simm.s32 $0x9880  }
0x9: {  	s28 =	simm.s32 $0xB080;
	s29 =	simm.s32 $0xB880;
	s30 =	simm.s32 $0xC080  }
0xa: {  	s3 =	sand.u32 $0x1, s2;
	s5 =	sshll.u32 s0, $0x1;
	s2 =	simm.s32 $0x0  }
0xb: {  	s31 =	simm.s32 $0xC880;
	s5 =	sor.u32 s3, s5;
	[smem:$0x7FF] =	sst s2  }
0xc: {  	s7 =	ssub.s32 $0x2, s3;
	s3 =	sadd.s32 $0x5E00, s1;
	s6 =	smul.u32 $0xD, s5  }
0xd: {  	_ =	strace $0x80000047;
	s5 =	smul.u32 $0x1A00, s5;
	[dreg:$0x5] =	wrdreg s25  }
0xe: {  	s8 =	sshrl.u32 s7, $0x1;
	[dreg:$0x6] =	wrdreg s26;
	s25 =	simm.s32 $0xA080  }
0xf: {  	s26 =	simm.s32 $0xA880;
	s7 =	ssub.s32 s7, s8;
	s6 =	sadd.s32 s6, s1  }
0x10: {  	v2 =	vlaneseq.u32;
	s5 =	sadd.s32 s4, s5;
	s4 =	sadd.s32 $0x5F00, s1;
	s1 =	simm.s32 $0x1  }
0x11: {  	vm0 =	vmmov $0xffff;
	v1 =	vshrl.u32 v2, $0x3;
	s6 =	sadd.s32 $0x5C00, s6;
	[dreg:$0x4] =	wrdreg s5;
	s5 =	smax.u32 s7, $0x1  }
0x12: {  	v0 =	vand.u32 $0x7, v2;
	v2 =	vor.u32 $0x8, v2;
	v1 =	vmul.u32 $0x8, v1;
	s7 =	simm.s32 $0x80;
	[dreg:$0x3] =	wrdreg s6;
	s6 =	simm.s32 $0x2  }
.LBB2_1:
0x13: {  	s0 =	rddreg [dreg:$0x3]  }
0x14: {  	[tilespmem:s2], [sflag:$0x2] =	stream.linear.gather [hbm4b:s0+s2], $0x68, $0x38;
	[tilespmem:$0xD080] =	vst v63  }
0x15: {  	_ =	swait.ge [sflag:s6], $0x68  }
0x16: {  	[sflag:s6] =	ssyncset.done $0x0  }
0x17: {  	[sflag:s6] =	ssyncadd.s32 $0xFFFFFF98  }
0x18: {  	v3 =	vld [tilespmem:$0x0];
	_ =	sdelay $0x4  }
0x19: {  	v4 =	vshll.u32 v3, $0x2  }
0x1a: {  	v3 =	vand.u32 $0x7, v3;
	v4 =	vand.u32 $0xFFFFFFE0, v4  }
0x1b: {  	v3 =	vor.u32 v3, v4  }
0x1c: {  	v4 =	vperm.xlane v3, v0;
	_ =	sdelay $0x1  }
0x1d: {  	v4 =	vadd.s32 v1, v4;
	_ =	sdelay $0x1  }
0x1e: {  	v3 =	vperm.xlane v3, v2;
	_ =	sdelay $0x1  }
0x1f: {  	v3 =	vadd.s32 v1, v3  }
0x20: {  	[tilespmem:s7], [sflag:$0x1] =	stream.indirect_vreg.gather [hbm4b:s3+s2], $0x80, v4, vm0, $0xb8;
	[tilespmem:$0xD080] =	vst v63  }
0x21: {  	s0 =	rddreg [dreg:$0x5]  }
0x22: {  	[tilespmem:s0], [sflag:$0x1] =	stream.indirect_vreg.gather [hbm4b:s4+s2], $0x80, v4, vm0, $0xb8;
	[tilespmem:$0xD080] =	vst v63  }
0x23: {  	s8 =	rddreg [dreg:$0x6]  }
0x24: {  	[tilespmem:s8], [sflag:$0x1] =	stream.indirect_vreg.gather [hbm4b:s3+s2], $0x80, v3, vm0, $0xb8;
	[tilespmem:$0xD080] =	vst v63  }
0x25: {  	s8 =	simm.s32 $0x1880  }
0x26: {  	[tilespmem:s8], [sflag:$0x1] =	stream.indirect_vreg.gather [hbm4b:s4+s2], $0x80, v3, vm0, $0xb8;
	[tilespmem:$0xD080] =	vst v63  }
0x27: {  	v3 =	vld [tilespmem:$0x10];
	_ =	sdelay $0x4  }
0x28: {  	v58 =	vshll.u32 v3, $0x2  }
0x29: {  	v3 =	vand.u32 $0x7, v3;
	v4 =	vand.u32 $0xFFFFFFE0, v58  }
0x2a: {  	v3 =	vor.u32 v3, v4  }
0x2b: {  	v4 =	vperm.xlane v3, v0;
	_ =	sdelay $0x1  }
0x2c: {  	v4 =	vadd.s32 v1, v4;
	_ =	sdelay $0x1  }
0x2d: {  	v3 =	vperm.xlane v3, v2;
	_ =	sdelay $0x1  }
0x2e: {  	v3 =	vadd.s32 v1, v3  }
0x2f: {  	[tilespmem:s9], [sflag:$0x1] =	stream.indirect_vreg.gather [hbm4b:s3+s2], $0x80, v4, vm0, $0xb8;
	[tilespmem:$0xD080] =	vst v63  }
0x30: {  	_ = 	snop  }
0x31: {  	[tilespmem:s10], [sflag:$0x1] =	stream.indirect_vreg.gather [hbm4b:s4+s2], $0x80, v4, vm0, $0xb8;
	[tilespmem:$0xD080] =	vst v63  }
0x32: {  	_ = 	snop  }
0x33: {  	[tilespmem:s11], [sflag:$0x1] =	stream.indirect_vreg.gather [hbm4b:s3+s2], $0x80, v3, vm0, $0xb8;
	[tilespmem:$0xD080] =	vst v63  }
0x34: {  	_ = 	snop  }
0x35: {  	[tilespmem:s12], [sflag:$0x1] =	stream.indirect_vreg.gather [hbm4b:s4+s2], $0x80, v3, vm0, $0xb8;
	[tilespmem:$0xD080] =	vst v63  }
0x36: {  	v3 =	vld [tilespmem:$0x20];
	_ =	sdelay $0x4  }
0x37: {  	v59 =	vshll.u32 v3, $0x2  }
0x38: {  	v3 =	vand.u32 $0x7, v3;
	v4 =	vand.u32 $0xFFFFFFE0, v59  }
0x39: {  	v3 =	vor.u32 v3, v4  }
0x3a: {  	v4 =	vperm.xlane v3, v0;
	_ =	sdelay $0x1  }
0x3b: {  	v4 =	vadd.s32 v1, v4;
	_ =	sdelay $0x1  }
0x3c: {  	v3 =	vperm.xlane v3, v2;
	_ =	sdelay $0x1  }
0x3d: {  	v3 =	vadd.s32 v1, v3  }
0x3e: {  	[tilespmem:s13], [sflag:$0x1] =	stream.indirect_vreg.gather [hbm4b:s3+s2], $0x80, v4, vm0, $0xb8;
	[tilespmem:$0xD080] =	vst v63  }
0x3f: {  	_ = 	snop  }
0x40: {  	[tilespmem:s14], [sflag:$0x1] =	stream.indirect_vreg.gather [hbm4b:s4+s2], $0x80, v4, vm0, $0xb8;
	[tilespmem:$0xD080] =	vst v63  }
0x41: {  	_ = 	snop  }
0x42: {  	[tilespmem:s15], [sflag:$0x1] =	stream.indirect_vreg.gather [hbm4b:s3+s2], $0x80, v3, vm0, $0xb8;
	[tilespmem:$0xD080] =	vst v63  }
0x43: {  	_ = 	snop  }
0x44: {  	[tilespmem:s16], [sflag:$0x1] =	stream.indirect_vreg.gather [hbm4b:s4+s2], $0x80, v3, vm0, $0xb8;
	[tilespmem:$0xD080] =	vst v63  }
0x45: {  	v3 =	vld [tilespmem:$0x30];
	_ =	sdelay $0x4  }
0x46: {  	v60 =	vshll.u32 v3, $0x2  }
0x47: {  	v3 =	vand.u32 $0x7, v3;
	v4 =	vand.u32 $0xFFFFFFE0, v60  }
0x48: {  	v3 =	vor.u32 v3, v4  }
0x49: {  	v4 =	vperm.xlane v3, v0;
	_ =	sdelay $0x1  }
0x4a: {  	v4 =	vadd.s32 v1, v4;
	_ =	sdelay $0x1  }
0x4b: {  	v3 =	vperm.xlane v3, v2;
	_ =	sdelay $0x1  }
0x4c: {  	v3 =	vadd.s32 v1, v3  }
0x4d: {  	[tilespmem:s17], [sflag:$0x1] =	stream.indirect_vreg.gather [hbm4b:s3+s2], $0x80, v4, vm0, $0xb8;
	[tilespmem:$0xD080] =	vst v63  }
0x4e: {  	_ = 	snop  }
0x4f: {  	[tilespmem:s18], [sflag:$0x1] =	stream.indirect_vreg.gather [hbm4b:s4+s2], $0x80, v4, vm0, $0xb8;
	[tilespmem:$0xD080] =	vst v63  }
0x50: {  	_ = 	snop  }
0x51: {  	[tilespmem:s19], [sflag:$0x1] =	stream.indirect_vreg.gather [hbm4b:s3+s2], $0x80, v3, vm0, $0xb8;
	[tilespmem:$0xD080] =	vst v63  }
0x52: {  	_ = 	snop  }
0x53: {  	[tilespmem:s20], [sflag:$0x1] =	stream.indirect_vreg.gather [hbm4b:s4+s2], $0x80, v3, vm0, $0xb8;
	[tilespmem:$0xD080] =	vst v63  }
0x54: {  	v3 =	vld [tilespmem:$0x40];
	_ =	sdelay $0x4  }
0x55: {  	v61 =	vshll.u32 v3, $0x2  }
0x56: {  	v3 =	vand.u32 $0x7, v3;
	v4 =	vand.u32 $0xFFFFFFE0, v61  }
0x57: {  	v3 =	vor.u32 v3, v4  }
0x58: {  	v4 =	vperm.xlane v3, v0;
	_ =	sdelay $0x1  }
0x59: {  	v4 =	vadd.s32 v1, v4;
	_ =	sdelay $0x1  }
0x5a: {  	v3 =	vperm.xlane v3, v2;
	_ =	sdelay $0x1  }
0x5b: {  	v3 =	vadd.s32 v1, v3  }
0x5c: {  	[tilespmem:s21], [sflag:$0x1] =	stream.indirect_vreg.gather [hbm4b:s3+s2], $0x80, v4, vm0, $0xb8;
	[tilespmem:$0xD080] =	vst v63  }
0x5d: {  	_ = 	snop  }
0x5e: {  	[tilespmem:s22], [sflag:$0x1] =	stream.indirect_vreg.gather [hbm4b:s4+s2], $0x80, v4, vm0, $0xb8;
	[tilespmem:$0xD080] =	vst v63  }
0x5f: {  	_ = 	snop  }
0x60: {  	[tilespmem:s23], [sflag:$0x1] =	stream.indirect_vreg.gather [hbm4b:s3+s2], $0x80, v3, vm0, $0xb8;
	[tilespmem:$0xD080] =	vst v63  }
0x61: {  	_ = 	snop  }
0x62: {  	[tilespmem:s24], [sflag:$0x1] =	stream.indirect_vreg.gather [hbm4b:s4+s2], $0x80, v3, vm0, $0xb8;
	[tilespmem:$0xD080] =	vst v63  }
0x63: {  	v3 =	vld [tilespmem:$0x50];
	_ =	sdelay $0x4  }
0x64: {  	v62 =	vshll.u32 v3, $0x2  }
0x65: {  	v3 =	vand.u32 $0x7, v3;
	v4 =	vand.u32 $0xFFFFFFE0, v62  }
0x66: {  	v3 =	vor.u32 v3, v4  }
0x67: {  	v4 =	vperm.xlane v3, v0;
	_ =	sdelay $0x1  }
0x68: {  	v4 =	vadd.s32 v1, v4;
	_ =	sdelay $0x1  }
0x69: {  	v3 =	vperm.xlane v3, v2;
	_ =	sdelay $0x1  }
0x6a: {  	v3 =	vadd.s32 v1, v3  }
0x6b: {  	[tilespmem:s25], [sflag:$0x1] =	stream.indirect_vreg.gather [hbm4b:s3+s2], $0x80, v4, vm0, $0xb8;
	[tilespmem:$0xD080] =	vst v63  }
0x6c: {  	_ = 	snop  }
0x6d: {  	[tilespmem:s26], [sflag:$0x1] =	stream.indirect_vreg.gather [hbm4b:s4+s2], $0x80, v4, vm0, $0xb8;
	[tilespmem:$0xD080] =	vst v63  }
0x6e: {  	_ = 	snop  }
0x6f: {  	[tilespmem:s28], [sflag:$0x1] =	stream.indirect_vreg.gather [hbm4b:s3+s2], $0x80, v3, vm0, $0xb8;
	[tilespmem:$0xD080] =	vst v63  }
0x70: {  	_ = 	snop  }
0x71: {  	[tilespmem:s29], [sflag:$0x1] =	stream.indirect_vreg.gather [hbm4b:s4+s2], $0x80, v3, vm0, $0xb8;
	[tilespmem:$0xD080] =	vst v63  }
0x72: {  	v3 =	vld.msk [tilespmem:$0x60], $0xff;
	_ =	sdelay $0x4  }
0x73: {  	v63 =	vshll.u32 v3, $0x2  }
0x74: {  	v3 =	vand.u32 $0x7, v3;
	v4 =	vand.u32 $0xFFFFFFE0, v63  }
0x75: {  	v3 =	vor.u32 v3, v4  }
0x76: {  	v3 =	vperm.xlane v3, v0;
	_ =	sdelay $0x1  }
0x77: {  	v3 =	vadd.s32 v1, v3;
	_ =	sdelay $0x4  }
0x78: {  	[tilespmem:s30], [sflag:$0x1] =	stream.indirect_vreg.gather [hbm4b:s3+s2], $0x80, v3, vm0, $0xb8;
	[tilespmem:$0xD080] =	vst v63  }
0x79: {  	_ = 	snop  }
0x7a: {  	[tilespmem:s31], [sflag:$0x1] =	stream.indirect_vreg.gather [hbm4b:s4+s2], $0x80, v3, vm0, $0xb8;
	[tilespmem:$0xD080] =	vst v63  }
0x7b: {  	_ =	swait.ge [sflag:s1], $0xD000  }
0x7c: {  	p0 =	sne.s32 s5, $0x1;
	[sflag:s1] =	ssyncset.done $0x0  }
.Ltmp0:
0x7d: {  	s8 =	rddreg [dreg:$0x4];
	[sflag:s1] =	ssyncadd.s32 $0xFFFF3000;
	(pc) =	sbr.rel @p0 .LBB2_1-.Ltmp0, $4  }
0x7e: {  	[hbm4b:s8+s2] =	stream.linear.scatter [tilespmem:s7], [sflag:$0x2], $0xD000, $0x38;
	[tilespmem:$0xD080] =	vst v63  }
0x7f: {  	_ =	swait.ge [sflag:s6], $0xD000  }
0x80: {  	[sflag:s6] =	ssyncset.done $0x0  }
0x81: {  	s5 =	sadd.s32 $0xFFFFFFFF, s5;
	[sflag:s6] =	ssyncadd.s32 $0xFFFF3000  }
0x82: {  	_ =	sfence.sel $0x180000  }
0x83: {  	[bflag:$0x0] =	sbarrier.arrive $0xFFFF  }
0x84: {  	_ =	strace $0x90000047  }
0x85: {  	s0 =	stileid.u32;
	[bflag:$0x2] =	sbarrier.arrive $0xFFFF  }
0x86: {  	p0 =	sne.s32 s0, $0x0;
	s0 =	rddreg [dreg:$0x2]  }
0x87: {  	s0 =	sadd.s32 @!p0 $0x100000, s0  }
0x88: {  	[sflag:s0] =	ssyncadd.tile.s32 @!p0 $0x1;
	_ =	shalt  }
.Lfunc_end2:
_tile_overlayer_lowered:
.L_overlay_start_2:
0x89: {  	(tag) =	ssettag $0x2  }
0x8a: {  	s0 =	rddreg [dreg:$0x0];
	s2 =	stileid.u32  }
0x8b: {  	s1 =	rddreg [dreg:$0x1];
	p0 =	sne.s32 s2, $0x0  }
0x8c: {  	s3 =	rddreg [dreg:$0x2];
	[bflag:$0x3] =	sbarrier.arrive $0xFFFF;
	s2 =	simm.s32 @!p0 $0x1C02  }
0x8d: {  	[timem:s3], [sflag:s2] =	dma.local @!p0 [hbm:s0], s1  }
0x8e: {  	s0 =	simm.s32 @!p0 $0x2  }
0x8f: {  	_ =	swait.ge @!p0 [sflag:s0], s1  }
0x90: {  	s1 =	ssub.s32 @!p0 $0x0, s1;
	[sflag:s0] =	ssyncset.done @!p0 $0x0  }
0x91: {  	[sflag:s0] =	ssyncadd.s32 @!p0 s1  }
0x92: {  	[bflag:$0x3] =	sbarrier.arrive $0xFFFF  }
0x93: {  	_ =	shalt  }

// kernel: kernel.15.cloned.1.call-start
scs
__scs_entry_jumppad:
0x0: {  	(pc) =	sbr.rel $0x88, $3  }
0x1: {  	(tag) =	ssettag $0x0;
	lr =	simm.s32 $0x1  }
0x2: {  	[smem:$0x3F94] =	sst lr;
	_ =	strace $0xD0000000  }
0x3: {  	_ = 	snop  }
0x4: {  	_ = 	snop  }
0x5: {  	_ = 	snop  }
0x6: {  	_ = 	snop  }
0x7: {  	_ = 	snop  }
__scs_overlays_trampoline_lowered:
0x8: {  	[smem:$0x3FA3] =	sst s0  }
0x9: {  	[smem:$0x3FA4] =	sst s1  }
0xa: {  	[smem:$0x3FA5] =	sst s2  }
0xb: {  	[smem:$0x3FA6] =	sst s3  }
0xc: {  	[smem:$0x3FA7] =	sst s4  }
0xd: {  	[smem:$0x3FA8] =	sst s5  }
0xe: {  	[smem:$0x3FA9] =	sst s6  }
0xf: {  	[smem:$0x3FAA] =	sst s7  }
0x10: {  	[smem:$0x3FAB] =	sst s8  }
0x11: {  	[smem:$0x3FAC] =	sst s9;
	s0 =	simm.s32 @!p0 $0x0  }
0x12: {  	s1 =	sld [smem:$0x3F92];
	s0 =	simm.s32 @p0 $0x1  }
0x13: {  	[smem:$0x3FAD] =	sst s0;
	s0 =	simm.s32 @!p1 $0x0  }
0x14: {  	s2 =	sld [smem:$0x3F91];
	s0 =	simm.s32 @p1 $0x1  }
0x15: {  	[smem:$0x3FAE] =	sst s0;
	s0 =	simm.s32 @!p2 $0x0  }
0x16: {  	s3 =	sld [smem:$0x3FDB];
	s0 =	simm.s32 @p2 $0x1  }
0x17: {  	s4 =	simm.s32 $0x1BF5;
	[smem:$0x3FB0] =	sst s0  }
0x18: {  	s0 =	sld [smem:$0x3F93];
	_ =	swait.ge [sflag:s4], $0x0  }
0x19: {  	s7 =	sld [smem:$0x3F94]  }
0x1a: {  	s8 =	sadd.s32 $0xFFFFE003, lr  }
0x1b: {  	s9 =	sadd.s32 $0xFFFFFEF7, lr;
	s5 =	simm.s32 $0xFFFFFFFF;
	p2 =	slt.u32 s8, $0xFFFFF086  }
0x1c: {  	p1 =	slt.u32 s9, $0xF7A;
	s5 =	simm.s32 @!p2 $0x0  }
0x1d: {  	s5 =	simm.s32 @p1 $0x1;
	p0 =	seq.s32 s7, s2  }
0x1e: {  	s7 =	smul.u32 @!p0 $0xF7A, s2;
	p2 =	seq.s32 @!p0 s5, $0x0  }
0x1f: {  	s9 =	smul.u32 $0xF7A, s1;
	s8 =	simm.s32 @!p0 $0x1BF5;
	p2 =	por !p2, p0  }
0x20: {  	[sflag:s8] =	ssyncset.s32 @!p0 $0xFFFFF086;
	s6 =	sadd.s32 @!p0 s3, s7;
	s7 =	simm.s32 @!p0 $0x108  }
0x21: {  	s3 =	sadd.s32 s3, s9;
	s6 =	sadd.s32 @!p0 $0x88, s6;
	s7 =	simm.s32 @p2 $0x1082  }
0x22: {  	[simem:s7], [sflag:s8] =	dma.local @!p0 [hbm:s6], $0xF7A  }
0x23: {  	s9 =	sor.u32 $0xD0000000, s2;
	s6 =	simm.s32 $0x108;
	_ =	swait.ge @!p0 [sflag:s8], $0x0  }
0x24: {  	s3 =	sadd.s32 $0x88, s3;
	s6 =	simm.s32 @!p1 $0x1082;
	[sflag:s4] =	ssyncset.s32 $0xFFFFF086  }
0x25: {  	[simem:s6], [sflag:s4] =	dma.local [hbm:s3], $0xF7A  }
0x26: {  	[smem:$0x3F94] =	sst s1;
	(tag) =	ssettag s2;
	_ =	strace s9  }
0x27: {  	s1 =	sld [smem:$0x3FA4]  }
0x28: {  	s2 =	sld [smem:$0x3FA5]  }
0x29: {  	s4 =	sld [smem:$0x3FA7]  }
0x2a: {  	p0 =	seq.s32 s5, $0x0;
	s5 =	sld [smem:$0x3FA8]  }
0x2b: {  	s6 =	sld [smem:$0x3FA9]  }
0x2c: {  	s7 =	sld [smem:$0x3FAA]  }
0x2d: {  	s3 =	simm.s32 $0x108;
	s8 =	sld [smem:$0x3FAB]  }
0x2e: {  	s3 =	simm.s32 @!p0 $0x1082;
	s9 =	sld [smem:$0x3FAC]  }
0x2f: {  	lr =	sadd.s32 s0, s3;
	s0 =	sld [smem:$0x3FA3]  }
0x30: {  	s3 =	sld [smem:$0x3FA6]  }
0x31: {  	[smem:$0x3FAF] =	sst s10  }
0x32: {  	s10 =	sld [smem:$0x3FAD];
	_ =	sdelay $0x3  }
0x33: {  	p0 =	seq.s32 s10, $0x1;
	s10 =	sld [smem:$0x3FAF];
	_ =	sdelay $0x3  }
0x34: {  	[smem:$0x3FAF] =	sst s10  }
0x35: {  	s10 =	sld [smem:$0x3FAE];
	_ =	sdelay $0x3  }
0x36: {  	p1 =	seq.s32 s10, $0x1;
	s10 =	sld [smem:$0x3FAF];
	_ =	sdelay $0x3  }
0x37: {  	[smem:$0x3FAF] =	sst s10  }
0x38: {  	s10 =	sld [smem:$0x3FB0]  }
0x39: {  	_ = 	snop;
	(pc) =	sbr.ind lr, $3  }
0x3a: {  	_ = 	snop  }
0x3b: {  	_ = 	snop  }
0x3c: {  	p2 =	seq.s32 s10, $0x1;
	s10 =	sld [smem:$0x3FAF]  }
0x3d: {  	_ =	shalt  }
0x3e: {  	_ =	shalt  }
0x3f: {  	_ =	shalt  }
0x40: {  	_ =	shalt  }
0x41: {  	_ =	shalt  }
0x42: {  	_ =	shalt  }
0x43: {  	_ =	shalt  }
0x44: {  	_ =	shalt  }
0x45: {  	_ =	shalt  }
0x46: {  	_ =	shalt  }
0x47: {  	_ =	shalt  }
0x48: {  	_ =	shalt  }
0x49: {  	_ =	shalt  }
0x4a: {  	_ =	shalt  }
0x4b: {  	_ =	shalt  }
0x4c: {  	_ =	shalt  }
0x4d: {  	_ =	shalt  }
0x4e: {  	_ =	shalt  }
0x4f: {  	_ =	shalt  }
0x50: {  	_ =	shalt  }
0x51: {  	_ =	shalt  }
0x52: {  	_ =	shalt  }
0x53: {  	_ =	shalt  }
0x54: {  	_ =	shalt  }
0x55: {  	_ =	shalt  }
0x56: {  	_ =	shalt  }
0x57: {  	_ =	shalt  }
0x58: {  	_ =	shalt  }
0x59: {  	_ =	shalt  }
0x5a: {  	_ =	shalt  }
0x5b: {  	_ =	shalt  }
0x5c: {  	_ =	shalt  }
0x5d: {  	_ =	shalt  }
0x5e: {  	_ =	shalt  }
0x5f: {  	_ =	shalt  }
0x60: {  	_ =	shalt  }
0x61: {  	_ =	shalt  }
0x62: {  	_ =	shalt  }
0x63: {  	_ =	shalt  }
0x64: {  	_ =	shalt  }
0x65: {  	_ =	shalt  }
0x66: {  	_ =	shalt  }
0x67: {  	_ =	shalt  }
0x68: {  	_ =	shalt  }
0x69: {  	_ =	shalt  }
0x6a: {  	_ =	shalt  }
0x6b: {  	_ =	shalt  }
0x6c: {  	_ =	shalt  }
0x6d: {  	_ =	shalt  }
0x6e: {  	_ =	shalt  }
0x6f: {  	_ =	shalt  }
0x70: {  	_ =	shalt  }
0x71: {  	_ =	shalt  }
0x72: {  	_ =	shalt  }
0x73: {  	_ =	shalt  }
0x74: {  	_ =	shalt  }
0x75: {  	_ =	shalt  }
0x76: {  	_ =	shalt  }
0x77: {  	_ =	shalt  }
0x78: {  	_ =	shalt  }
0x79: {  	_ =	shalt  }
0x7a: {  	_ =	shalt  }
0x7b: {  	_ =	shalt  }
0x7c: {  	_ =	shalt  }
0x7d: {  	_ =	shalt  }
0x7e: {  	_ =	shalt  }
0x7f: {  	_ =	shalt  }
0x80: {  	_ =	shalt  }
0x81: {  	_ =	shalt  }
0x82: {  	_ =	shalt  }
0x83: {  	_ =	shalt  }
0x84: {  	_ =	shalt  }
0x85: {  	_ =	shalt  }
0x86: {  	_ =	shalt  }
0x87: {  	_ =	shalt  }
.Lfunc_end0:
.L_simem_size_0:
called_computation.1_lowered:
.L_overlay_start_0:
0x88: {  	s2 =	sld [smem:$0x3FD9]  }
0x89: {  	s3 =	sld [smem:$0x3FFE];
	_ =	sdelay $0x1  }
0x8a: {  	s1 =	srdreg.scid  }
0x8b: {  	s0 =	sand.u32 $0x1, s1  }
0x8c: {  	s16 =	sshll.u32 s0, $0xA;
	s2 =	sadd.s32 s3, s2  }
0x8d: {  	s2 =	sadd.s32 s2, s16  }
0x8e: {  	[smem:$0x3FBB] =	sst s2  }
0x8f: {  	_ = 	snop  }
0x90: {  	(tm) =	ssettm $0x1  }
0x91: {  	s17 =	sld [smem:$0x3FFB];
	_ =	sdelay $0x3  }
0x92: {  	_ =	strace s17  }
0x93: {  	s2 =	sld [smem:$0x3FFC];
	_ =	sdelay $0x3  }
0x94: {  	_ =	strace s2  }
0x95: {  	s2 =	sld [smem:$0x3FFD];
	_ =	sdelay $0x3  }
0x96: {  	_ =	strace s2  }
0x97: {  	_ =	strace $0x8FFFFFFF  }
0x98: {  	s18 =	sld [smem:$0x3FDB];
	_ =	sdelay $0x1  }
0x99: {  	s19 =	simm.s32 $_scs_section_size  }
0x9a: {  	s4 =	simm.s32 $_size__tile_overlayer_lowered;
	s5 =	simm.s32 $_tile_overlayer_lowered  }
0x9b: {  	s22 =	simm.s32 $0x1BFF;
	s21 =	sshll.u32 s5, $0x1;
	s2 =	sadd.s32 s19, s18  }
0x9c: {  	s6 =	simm.s32 $0x0;
	s20 =	sshll.u32 s4, $0x1;
	s4 =	sadd.s32 s21, s2  }
0x9d: {  	[timem:s6], [sflag:s22] =	dma.local [hbm:s4], s20  }
0x9e: {  	_ =	swait.ge [sflag:s22], s20  }
0x9f: {  	s3 =	ssub.s32 $0x0, s20;
	[sflag:s22] =	ssyncset.done $0x0  }
0xa0: {  	[sflag:s22] =	ssyncadd.s32 s3;
	_ =	sdelay $0x1  }
0xa1: {  	s23 =	simm.s32 $0x1B8B  }
0xa2: {  	_ =	swait.ge [sflag:s23], $0x1  }
0xa3: {  	[sflag:s23] =	ssyncset.done $0x0  }
0xa4: {  	s25 =	simm.s32 $0x1B8E;
	s24 =	sld [smem:$0x3FFE];
	[sflag:s23] =	ssyncadd.s32 $0xFFFFFFFF  }
0xa5: {  	s26 =	simm.s32 $execute0_lowered;
	[smem:$0x3FD2] =	sst s25  }
0xa6: {  	s4 =	sshll.u32 s26, $0x1;
	_ =	strace $0x80000049;
	[dreg:$0x1] =	wrdreg $0xFFFFFFFF  }
0xa7: {  	s28 =	simm.s32 $_size_execute0_lowered;
	s2 =	sadd.s32 s2, s4;
	[dreg:$0x0] =	wrdreg $0x0  }
0xa8: {  	s4 =	sshll.u32 s28, $0x1;
	[dreg:$0x2] =	wrdreg s2  }
0xa9: {  	[dreg:$0x3] =	wrdreg s4  }
0xaa: {  	[dreg:$0x4] =	wrdreg $0xC0  }
0xab: {  	_ =	task [dreg:s6], $0x5FFFF  }
0xac: {  	[dreg:$0x1] =	wrdreg $0xFFFFFFFF  }
0xad: {  	[dreg:$0x0] =	wrdreg $0x60  }
0xae: {  	[dreg:$0x2] =	wrdreg s24  }
0xaf: {  	[dreg:$0x3] =	wrdreg $0x9  }
0xb0: {  	_ =	task.clear_ibuf [dreg:s6], $0x4FFFF;
	_ =	strace $0x90000049  }
0xb1: {  	s29 =	simm.s32 $0x9;
	_ =	strace $0x8000004B  }
0xb2: {  	_ =	swait.ge [sflag:s29], $0x1  }
0xb3: {  	[sflag:s29] =	ssyncadd.s32 $0xFFFFFFFF  }
0xb4: {  	_ =	strace $0x9000004B  }
0xb5: {  	_ =	sfence  }
0xb6: {  	s30 =	sld [smem:$0x0];
	_ =	sdelay $0x2  }
0xb7: {  	s31 =	sshll.u32 s1, $0xD;
	s1 =	sshrl.u32 s1, $0x2  }
0xb8: {  	s3 =	sand.u32 $0x4000, s31;
	s1 =	sadd.s32 s1, s30  }
0xb9: {  	s0 =	sor.u32 s3, s0;
	s1 =	sshll.u32 s1, $0x11  }
0xba: {  	s0 =	sor.u32 s1, s0  }
0xbb: {  	s0 =	sadd.s32 $0x8F2B, s0  }
0xbc: {  	[sflag:s0] =	ssyncadd.remote.s32 $0x1  }
0xbd: {  	_ =	sfence.sel $0xFFFF  }
0xbe: {  	[dreg:$0x0] =	wrdreg $0xFFFFFFFF;
	(pc) =	sbr.abs _section_cstart, $3  }
0xbf: {  	[dreg:$0x1] =	wrdreg $0xFFFFFFFF  }
0xc0: {  	_ =	task.clear_ibuf [dreg:s6], $0x2FFFF;
	_ =	strace $0x9FFFFFFF  }
0xc1: {  	(tm) =	ssettm $0x7FFFFFFF  }
tec
execute0_lowered:
.L_overlay_start_1:
0x0: {  	(tag) =	ssettag $0x1  }
0x1: {  	s4 =	rddreg [dreg:$0x0]  }
0x2: {  	s0 =	rddreg [dreg:$0x1];
	s2 =	simm.s32 $0x0;
	s3 =	srdreg.scid  }
0x3: {  	s1 =	stileid.u32;
	s10 =	simm.s32 $0x1080;
	s11 =	simm.s32 $0x1880  }
0x4: {  	s12 =	simm.s32 $0x2080;
	s13 =	simm.s32 $0x2880;
	s14 =	simm.s32 $0x3080  }
0x5: {  	s15 =	simm.s32 $0x1;
	s16 =	simm.s32 $0x0;
	s6 =	smul.u32 $0x310, s1  }
0x6: {  	[smem:$0x7FF] =	sst s2;
	s5 =	sand.u32 $0x1, s3;
	s8 =	smul.u32 $0x6200, s1  }
0x7: {  	s3 =	sadd.s32 $0x12E00, s4;
	s7 =	smul.u32 $0x188, s5;
	s9 =	ssub.s32 $0x2, s5  }
0x8: {  	_ =	strace $0x8000004A;
	s5 =	smul.u32 $0x3100, s5;
	s31 =	sshrl.u32 s9, $0x1  }
0x9: {  	s8 =	sadd.s32 s8, s4;
	s6 =	sadd.s32 s7, s6;
	s7 =	ssub.s32 s9, s31  }
0xa: {  	v2 =	vlaneseq.u32;
	s5 =	sadd.s32 s5, s8;
	s8 =	simm.s32 $0x80;
	s6 =	sshrl.u32 s6, $0x3  }
0xb: {  	vm0 =	vmmov $0xffff;
	v1 =	vshrl.u32 v2, $0x3;
	s9 =	simm.s32 $0x880;
	s5 =	sadd.s32 $0x2CE00, s5;
	s6 =	sadd.s32 s6, s4  }
0xc: {  	v0 =	vand.u32 $0x7, v2;
	v2 =	vor.u32 $0x8, v2;
	v1 =	vmul.u32 $0x8, v1;
	s4 =	smax.u32 s7, $0x1;
	s7 =	simm.s32 $0x2;
	s6 =	sadd.s32 $0x12600, s6  }
.LBB2_1:
0xd: {  	s17 =	smov.u32 s5;
	s18 =	simm.s32 $0x0  }
.LBB2_2:
0xe: {  	s19 =	sadd.s32 s18, s6  }
0xf: {  	[tilespmem:s2], [sflag:$0x2] =	stream.linear.gather [hbm4b:s19+s2], $0x38, $0x38;
	[tilespmem:$0x3880] =	vst v63  }
0x10: {  	_ =	swait.ge [sflag:s7], $0x38  }
0x11: {  	[sflag:s7] =	ssyncset.done $0x0  }
0x12: {  	[sflag:s7] =	ssyncadd.s32 $0xFFFFFFC8  }
0x13: {  	v3 =	vld [tilespmem:$0x0];
	_ =	sdelay $0x4  }
0x14: {  	v4 =	vshll.u32 v3, $0x1  }
0x15: {  	v3 =	vand.u32 $0x7, v3;
	v4 =	vand.u32 $0xFFFFFFF0, v4  }
0x16: {  	v3 =	vor.u32 v3, v4  }
0x17: {  	v4 =	vperm.xlane v3, v0;
	_ =	sdelay $0x1  }
0x18: {  	v3 =	vperm.xlane v3, v2;
	v4 =	vadd.s32 v1, v4;
	_ =	sdelay $0x1  }
0x19: {  	v3 =	vadd.s32 v1, v3;
	_ =	sdelay $0x2  }
0x1a: {  	[tilespmem:s8], [sflag:$0x1] =	stream.indirect_vreg.gather [hbm4b:s3+s2], $0x80, v4, vm0, $0xb8;
	[tilespmem:$0x3880] =	vst v63  }
0x1b: {  	_ = 	snop  }
0x1c: {  	[tilespmem:s9], [sflag:$0x1] =	stream.indirect_vreg.gather [hbm4b:s3+s2], $0x80, v3, vm0, $0xb8;
	[tilespmem:$0x3880] =	vst v63  }
0x1d: {  	v3 =	vld [tilespmem:$0x10];
	_ =	sdelay $0x4  }
0x1e: {  	v61 =	vshll.u32 v3, $0x1  }
0x1f: {  	v3 =	vand.u32 $0x7, v3;
	v4 =	vand.u32 $0xFFFFFFF0, v61  }
0x20: {  	v3 =	vor.u32 v3, v4  }
0x21: {  	v4 =	vperm.xlane v3, v0;
	_ =	sdelay $0x1  }
0x22: {  	v3 =	vperm.xlane v3, v2;
	v4 =	vadd.s32 v1, v4;
	_ =	sdelay $0x1  }
0x23: {  	v3 =	vadd.s32 v1, v3;
	_ =	sdelay $0x2  }
0x24: {  	[tilespmem:s10], [sflag:$0x1] =	stream.indirect_vreg.gather [hbm4b:s3+s2], $0x80, v4, vm0, $0xb8;
	[tilespmem:$0x3880] =	vst v63  }
0x25: {  	_ = 	snop  }
0x26: {  	[tilespmem:s11], [sflag:$0x1] =	stream.indirect_vreg.gather [hbm4b:s3+s2], $0x80, v3, vm0, $0xb8;
	[tilespmem:$0x3880] =	vst v63  }
0x27: {  	v3 =	vld [tilespmem:$0x20];
	_ =	sdelay $0x4  }
0x28: {  	v62 =	vshll.u32 v3, $0x1  }
0x29: {  	v3 =	vand.u32 $0x7, v3;
	v4 =	vand.u32 $0xFFFFFFF0, v62  }
0x2a: {  	v3 =	vor.u32 v3, v4  }
0x2b: {  	v4 =	vperm.xlane v3, v0;
	_ =	sdelay $0x1  }
0x2c: {  	v3 =	vperm.xlane v3, v2;
	v4 =	vadd.s32 v1, v4;
	_ =	sdelay $0x1  }
0x2d: {  	v3 =	vadd.s32 v1, v3;
	_ =	sdelay $0x2  }
0x2e: {  	[tilespmem:s12], [sflag:$0x1] =	stream.indirect_vreg.gather [hbm4b:s3+s2], $0x80, v4, vm0, $0xb8;
	[tilespmem:$0x3880] =	vst v63  }
0x2f: {  	_ = 	snop  }
0x30: {  	[tilespmem:s13], [sflag:$0x1] =	stream.indirect_vreg.gather [hbm4b:s3+s2], $0x80, v3, vm0, $0xb8;
	[tilespmem:$0x3880] =	vst v63  }
0x31: {  	v3 =	vld.msk [tilespmem:$0x30], $0xff;
	_ =	sdelay $0x4  }
0x32: {  	v63 =	vshll.u32 v3, $0x1  }
0x33: {  	v3 =	vand.u32 $0x7, v3;
	v4 =	vand.u32 $0xFFFFFFF0, v63  }
0x34: {  	v3 =	vor.u32 v3, v4  }
0x35: {  	v3 =	vperm.xlane v3, v0;
	_ =	sdelay $0x1  }
0x36: {  	v3 =	vadd.s32 v1, v3;
	_ =	sdelay $0x4  }
0x37: {  	[tilespmem:s14], [sflag:$0x1] =	stream.indirect_vreg.gather [hbm4b:s3+s2], $0x80, v3, vm0, $0xb8;
	[tilespmem:$0x3880] =	vst v63  }
0x38: {  	_ =	swait.ge [sflag:s15], $0x3800  }
0x39: {  	p0 =	sne.s32 s18, $0x2A;
	[sflag:s15] =	ssyncset.done $0x0  }
.Ltmp0:
0x3a: {  	[sflag:s15] =	ssyncadd.s32 $0xFFFFC800;
	(pc) =	sbr.rel @p0 .LBB2_2-.Ltmp0, $4  }
0x3b: {  	[hbm4b:s17+s2] =	stream.linear.scatter [tilespmem:s8], [sflag:$0x2], $0x3800, $0x38;
	[tilespmem:$0x3880] =	vst v63  }
0x3c: {  	_ =	swait.ge [sflag:s7], $0x3800  }
0x3d: {  	[sflag:s7] =	ssyncset.done $0x0  }
0x3e: {  	s18 =	sadd.s32 $0x7, s18;
	s17 =	sadd.s32 $0x700, s17;
	[sflag:s7] =	ssyncadd.s32 $0xFFFFC800  }
0x3f: {  	s16 =	sadd.s32 $0x1, s16  }
0x40: {  	p0 =	sne.s32 s16, s4  }
.Ltmp1:
0x41: {  	_ = 	snop;
	(pc) =	sbr.rel @p0 .LBB2_1-.Ltmp1, $1  }
0x42: {  	_ =	sdelay $0x3  }
0x43: {  	_ =	sfence.sel $0x180000  }
0x44: {  	[bflag:$0x0] =	sbarrier.arrive $0xFFFF  }
0x45: {  	p0 =	sne.s32 s1, $0x0;
	_ =	strace $0x9000004A  }
0x46: {  	s0 =	sadd.s32 @!p0 $0x100000, s0;
	[bflag:$0x2] =	sbarrier.arrive $0xFFFF  }
0x47: {  	[sflag:s0] =	ssyncadd.tile.s32 @!p0 $0x1;
	_ =	shalt  }
.Lfunc_end2:
_tile_overlayer_lowered:
.L_overlay_start_2:
0x48: {  	(tag) =	ssettag $0x2  }
0x49: {  	s0 =	rddreg [dreg:$0x0];
	s2 =	stileid.u32  }
0x4a: {  	s1 =	rddreg [dreg:$0x1];
	p0 =	sne.s32 s2, $0x0  }
0x4b: {  	s3 =	rddreg [dreg:$0x2];
	[bflag:$0x3] =	sbarrier.arrive $0xFFFF;
	s2 =	simm.s32 @!p0 $0x1C02  }
0x4c: {  	[timem:s3], [sflag:s2] =	dma.local @!p0 [hbm:s0], s1  }
0x4d: {  	s0 =	simm.s32 @!p0 $0x2  }
0x4e: {  	_ =	swait.ge @!p0 [sflag:s0], s1  }
0x4f: {  	s1 =	ssub.s32 @!p0 $0x0, s1;
	[sflag:s0] =	ssyncset.done @!p0 $0x0  }
0x50: {  	[sflag:s0] =	ssyncadd.s32 @!p0 s1  }
0x51: {  	[bflag:$0x3] =	sbarrier.arrive $0xFFFF  }
0x52: {  	_ =	shalt  }

// kernel: kernel.18.cloned.1.call-start
scs
__scs_entry_jumppad:
0x0: {  	(pc) =	sbr.rel $0x88, $3  }
0x1: {  	(tag) =	ssettag $0x0;
	lr =	simm.s32 $0x1  }
0x2: {  	[smem:$0x3F94] =	sst lr;
	_ =	strace $0xD0000000  }
0x3: {  	_ = 	snop  }
0x4: {  	_ = 	snop  }
0x5: {  	_ = 	snop  }
0x6: {  	_ = 	snop  }
0x7: {  	_ = 	snop  }
__scs_overlays_trampoline_lowered:
0x8: {  	[smem:$0x3FA3] =	sst s0  }
0x9: {  	[smem:$0x3FA4] =	sst s1  }
0xa: {  	[smem:$0x3FA5] =	sst s2  }
0xb: {  	[smem:$0x3FA6] =	sst s3  }
0xc: {  	[smem:$0x3FA7] =	sst s4  }
0xd: {  	[smem:$0x3FA8] =	sst s5  }
0xe: {  	[smem:$0x3FA9] =	sst s6  }
0xf: {  	[smem:$0x3FAA] =	sst s7  }
0x10: {  	[smem:$0x3FAB] =	sst s8  }
0x11: {  	[smem:$0x3FAC] =	sst s9;
	s0 =	simm.s32 @!p0 $0x0  }
0x12: {  	s1 =	sld [smem:$0x3F92];
	s0 =	simm.s32 @p0 $0x1  }
0x13: {  	[smem:$0x3FAD] =	sst s0;
	s0 =	simm.s32 @!p1 $0x0  }
0x14: {  	s2 =	sld [smem:$0x3F91];
	s0 =	simm.s32 @p1 $0x1  }
0x15: {  	[smem:$0x3FAE] =	sst s0;
	s0 =	simm.s32 @!p2 $0x0  }
0x16: {  	s3 =	sld [smem:$0x3FDB];
	s0 =	simm.s32 @p2 $0x1  }
0x17: {  	s4 =	simm.s32 $0x1BF5;
	[smem:$0x3FB0] =	sst s0  }
0x18: {  	s0 =	sld [smem:$0x3F93];
	_ =	swait.ge [sflag:s4], $0x0  }
0x19: {  	s7 =	sld [smem:$0x3F94]  }
0x1a: {  	s8 =	sadd.s32 $0xFFFFE003, lr  }
0x1b: {  	s9 =	sadd.s32 $0xFFFFFEF7, lr;
	s5 =	simm.s32 $0xFFFFFFFF;
	p2 =	slt.u32 s8, $0xFFFFF086  }
0x1c: {  	p1 =	slt.u32 s9, $0xF7A;
	s5 =	simm.s32 @!p2 $0x0  }
0x1d: {  	s5 =	simm.s32 @p1 $0x1;
	p0 =	seq.s32 s7, s2  }
0x1e: {  	s7 =	smul.u32 @!p0 $0xF7A, s2;
	p2 =	seq.s32 @!p0 s5, $0x0  }
0x1f: {  	s9 =	smul.u32 $0xF7A, s1;
	s8 =	simm.s32 @!p0 $0x1BF5;
	p2 =	por !p2, p0  }
0x20: {  	[sflag:s8] =	ssyncset.s32 @!p0 $0xFFFFF086;
	s6 =	sadd.s32 @!p0 s3, s7;
	s7 =	simm.s32 @!p0 $0x108  }
0x21: {  	s3 =	sadd.s32 s3, s9;
	s6 =	sadd.s32 @!p0 $0x88, s6;
	s7 =	simm.s32 @p2 $0x1082  }
0x22: {  	[simem:s7], [sflag:s8] =	dma.local @!p0 [hbm:s6], $0xF7A  }
0x23: {  	s9 =	sor.u32 $0xD0000000, s2;
	s6 =	simm.s32 $0x108;
	_ =	swait.ge @!p0 [sflag:s8], $0x0  }
0x24: {  	s3 =	sadd.s32 $0x88, s3;
	s6 =	simm.s32 @!p1 $0x1082;
	[sflag:s4] =	ssyncset.s32 $0xFFFFF086  }
0x25: {  	[simem:s6], [sflag:s4] =	dma.local [hbm:s3], $0xF7A  }
0x26: {  	[smem:$0x3F94] =	sst s1;
	(tag) =	ssettag s2;
	_ =	strace s9  }
0x27: {  	s1 =	sld [smem:$0x3FA4]  }
0x28: {  	s2 =	sld [smem:$0x3FA5]  }
0x29: {  	s4 =	sld [smem:$0x3FA7]  }
0x2a: {  	p0 =	seq.s32 s5, $0x0;
	s5 =	sld [smem:$0x3FA8]  }
0x2b: {  	s6 =	sld [smem:$0x3FA9]  }
0x2c: {  	s7 =	sld [smem:$0x3FAA]  }
0x2d: {  	s3 =	simm.s32 $0x108;
	s8 =	sld [smem:$0x3FAB]  }
0x2e: {  	s3 =	simm.s32 @!p0 $0x1082;
	s9 =	sld [smem:$0x3FAC]  }
0x2f: {  	lr =	sadd.s32 s0, s3;
	s0 =	sld [smem:$0x3FA3]  }
0x30: {  	s3 =	sld [smem:$0x3FA6]  }
0x31: {  	[smem:$0x3FAF] =	sst s10  }
0x32: {  	s10 =	sld [smem:$0x3FAD];
	_ =	sdelay $0x3  }
0x33: {  	p0 =	seq.s32 s10, $0x1;
	s10 =	sld [smem:$0x3FAF];
	_ =	sdelay $0x3  }
0x34: {  	[smem:$0x3FAF] =	sst s10  }
0x35: {  	s10 =	sld [smem:$0x3FAE];
	_ =	sdelay $0x3  }
0x36: {  	p1 =	seq.s32 s10, $0x1;
	s10 =	sld [smem:$0x3FAF];
	_ =	sdelay $0x3  }
0x37: {  	[smem:$0x3FAF] =	sst s10  }
0x38: {  	s10 =	sld [smem:$0x3FB0]  }
0x39: {  	_ = 	snop;
	(pc) =	sbr.ind lr, $3  }
0x3a: {  	_ = 	snop  }
0x3b: {  	_ = 	snop  }
0x3c: {  	p2 =	seq.s32 s10, $0x1;
	s10 =	sld [smem:$0x3FAF]  }
0x3d: {  	_ =	shalt  }
0x3e: {  	_ =	shalt  }
0x3f: {  	_ =	shalt  }
0x40: {  	_ =	shalt  }
0x41: {  	_ =	shalt  }
0x42: {  	_ =	shalt  }
0x43: {  	_ =	shalt  }
0x44: {  	_ =	shalt  }
0x45: {  	_ =	shalt  }
0x46: {  	_ =	shalt  }
0x47: {  	_ =	shalt  }
0x48: {  	_ =	shalt  }
0x49: {  	_ =	shalt  }
0x4a: {  	_ =	shalt  }
0x4b: {  	_ =	shalt  }
0x4c: {  	_ =	shalt  }
0x4d: {  	_ =	shalt  }
0x4e: {  	_ =	shalt  }
0x4f: {  	_ =	shalt  }
0x50: {  	_ =	shalt  }
0x51: {  	_ =	shalt  }
0x52: {  	_ =	shalt  }
0x53: {  	_ =	shalt  }
0x54: {  	_ =	shalt  }
0x55: {  	_ =	shalt  }
0x56: {  	_ =	shalt  }
0x57: {  	_ =	shalt  }
0x58: {  	_ =	shalt  }
0x59: {  	_ =	shalt  }
0x5a: {  	_ =	shalt  }
0x5b: {  	_ =	shalt  }
0x5c: {  	_ =	shalt  }
0x5d: {  	_ =	shalt  }
0x5e: {  	_ =	shalt  }
0x5f: {  	_ =	shalt  }
0x60: {  	_ =	shalt  }
0x61: {  	_ =	shalt  }
0x62: {  	_ =	shalt  }
0x63: {  	_ =	shalt  }
0x64: {  	_ =	shalt  }
0x65: {  	_ =	shalt  }
0x66: {  	_ =	shalt  }
0x67: {  	_ =	shalt  }
0x68: {  	_ =	shalt  }
0x69: {  	_ =	shalt  }
0x6a: {  	_ =	shalt  }
0x6b: {  	_ =	shalt  }
0x6c: {  	_ =	shalt  }
0x6d: {  	_ =	shalt  }
0x6e: {  	_ =	shalt  }
0x6f: {  	_ =	shalt  }
0x70: {  	_ =	shalt  }
0x71: {  	_ =	shalt  }
0x72: {  	_ =	shalt  }
0x73: {  	_ =	shalt  }
0x74: {  	_ =	shalt  }
0x75: {  	_ =	shalt  }
0x76: {  	_ =	shalt  }
0x77: {  	_ =	shalt  }
0x78: {  	_ =	shalt  }
0x79: {  	_ =	shalt  }
0x7a: {  	_ =	shalt  }
0x7b: {  	_ =	shalt  }
0x7c: {  	_ =	shalt  }
0x7d: {  	_ =	shalt  }
0x7e: {  	_ =	shalt  }
0x7f: {  	_ =	shalt  }
0x80: {  	_ =	shalt  }
0x81: {  	_ =	shalt  }
0x82: {  	_ =	shalt  }
0x83: {  	_ =	shalt  }
0x84: {  	_ =	shalt  }
0x85: {  	_ =	shalt  }
0x86: {  	_ =	shalt  }
0x87: {  	_ =	shalt  }
.Lfunc_end0:
.L_simem_size_0:
called_computation.2_lowered:
.L_overlay_start_0:
0x88: {  	s2 =	sld [smem:$0x3FD9]  }
0x89: {  	s3 =	sld [smem:$0x3FFE];
	_ =	sdelay $0x1  }
0x8a: {  	s1 =	srdreg.scid  }
0x8b: {  	s0 =	sand.u32 $0x1, s1  }
0x8c: {  	s17 =	sshll.u32 s0, $0xA;
	s2 =	sadd.s32 s3, s2  }
0x8d: {  	s2 =	sadd.s32 s2, s17  }
0x8e: {  	[smem:$0x3FBB] =	sst s2  }
0x8f: {  	_ = 	snop  }
0x90: {  	s2 =	sld [smem:$0x3FD0];
	(tm) =	ssettm $0x1  }
0x91: {  	s18 =	sld [smem:$0x3FFB];
	_ =	sdelay $0x3  }
0x92: {  	_ =	strace s18  }
0x93: {  	s3 =	sld [smem:$0x3FFC];
	_ =	sdelay $0x3  }
0x94: {  	_ =	strace s3  }
0x95: {  	s3 =	sld [smem:$0x3FFD];
	_ =	sdelay $0x3  }
0x96: {  	_ =	strace s3  }
0x97: {  	_ =	strace $0x8FFFFFFF  }
0x98: {  	s19 =	sld [smem:$0x3FDB];
	_ =	sdelay $0x1  }
0x99: {  	s4 =	simm.s32 $_scs_section_size  }
0x9a: {  	s5 =	simm.s32 $_size__tile_overlayer_lowered;
	s6 =	simm.s32 $_tile_overlayer_lowered  }
0x9b: {  	s22 =	simm.s32 $0x1BFF;
	s21 =	sshll.u32 s6, $0x1;
	s3 =	sadd.s32 s4, s19  }
0x9c: {  	s7 =	simm.s32 $0x0;
	s20 =	sshll.u32 s5, $0x1;
	s5 =	sadd.s32 s21, s3  }
0x9d: {  	[timem:s7], [sflag:s22] =	dma.local [hbm:s5], s20  }
0x9e: {  	_ =	swait.ge [sflag:s22], s20  }
0x9f: {  	s4 =	ssub.s32 $0x0, s20;
	[sflag:s22] =	ssyncset.done $0x0  }
0xa0: {  	[sflag:s22] =	ssyncadd.s32 s4;
	_ =	sdelay $0x1  }
0xa1: {  	s23 =	simm.s32 $0x1B8B  }
0xa2: {  	_ =	swait.ge [sflag:s23], $0x1  }
0xa3: {  	[sflag:s23] =	ssyncset.done $0x0  }
0xa4: {  	s25 =	simm.s32 $0x1B8E;
	s24 =	sld [smem:$0x3FFE];
	[sflag:s23] =	ssyncadd.s32 $0xFFFFFFFF  }
0xa5: {  	s26 =	simm.s32 $execute0_lowered;
	[smem:$0x3FD2] =	sst s25  }
0xa6: {  	s5 =	sshll.u32 s26, $0x1;
	_ =	strace $0x8000004C;
	[dreg:$0x1] =	wrdreg $0xFFFFFFFF  }
0xa7: {  	s28 =	simm.s32 $_size_execute0_lowered;
	s3 =	sadd.s32 s3, s5;
	[dreg:$0x0] =	wrdreg $0x0  }
0xa8: {  	s5 =	sshll.u32 s28, $0x1;
	[dreg:$0x2] =	wrdreg s3  }
0xa9: {  	[dreg:$0x3] =	wrdreg s5  }
0xaa: {  	[dreg:$0x4] =	wrdreg $0xC0  }
0xab: {  	_ =	task [dreg:s7], $0x5FFFF  }
0xac: {  	[dreg:$0x1] =	wrdreg $0xFFFFFFFF  }
0xad: {  	[dreg:$0x0] =	wrdreg $0x60  }
0xae: {  	[dreg:$0x2] =	wrdreg s2  }
0xaf: {  	[dreg:$0x3] =	wrdreg s24  }
0xb0: {  	[dreg:$0x4] =	wrdreg $0x9  }
0xb1: {  	_ =	task.clear_ibuf [dreg:s7], $0x5FFFF;
	_ =	strace $0x9000004C  }
0xb2: {  	s29 =	simm.s32 $0x9;
	_ =	strace $0x8000004E  }
0xb3: {  	_ =	swait.ge [sflag:s29], $0x1  }
0xb4: {  	[sflag:s29] =	ssyncadd.s32 $0xFFFFFFFF  }
0xb5: {  	_ =	strace $0x9000004E  }
0xb6: {  	_ =	sfence  }
0xb7: {  	s30 =	sld [smem:$0x0];
	_ =	sdelay $0x2  }
0xb8: {  	s31 =	sshll.u32 s1, $0xD;
	s1 =	sshrl.u32 s1, $0x2  }
0xb9: {  	s3 =	sand.u32 $0x4000, s31;
	s1 =	sadd.s32 s1, s30  }
0xba: {  	s0 =	sor.u32 s3, s0;
	s1 =	sshll.u32 s1, $0x11  }
0xbb: {  	s0 =	sor.u32 s1, s0  }
0xbc: {  	s0 =	sadd.s32 $0x8F2B, s0  }
0xbd: {  	[sflag:s0] =	ssyncadd.remote.s32 $0x1  }
0xbe: {  	_ =	sfence.sel $0xFFFF  }
0xbf: {  	[dreg:$0x0] =	wrdreg $0xFFFFFFFF;
	(pc) =	sbr.abs _section_cstart, $3  }
0xc0: {  	[dreg:$0x1] =	wrdreg $0xFFFFFFFF  }
0xc1: {  	_ =	task.clear_ibuf [dreg:s7], $0x2FFFF;
	_ =	strace $0x9FFFFFFF  }
0xc2: {  	(tm) =	ssettm $0x7FFFFFFF  }
0xc3: {  	_ =	shalt  }
tec
execute0_lowered:
.L_overlay_start_1:
0x0: {  	(tag) =	ssettag $0x1  }
0x1: {  	s2 =	rddreg [dreg:$0x0];
	s1 =	srdreg.scid  }
0x2: {  	s0 =	stileid.u32;
	s4 =	rddreg [dreg:$0x1];
	s3 =	simm.s32 $0x0  }
0x3: {  	s10 =	simm.s32 $0x1;
	s11 =	simm.s32 $0x0;
	s6 =	smul.u32 $0xC40, s0  }
0x4: {  	s5 =	sand.u32 $0x1, s1;
	s1 =	rddreg [dreg:$0x2];
	s8 =	smul.u32 $0xC400, s0  }
0x5: {  	[smem:$0x7FF] =	sst s3;
	s7 =	smul.u32 $0x620, s5;
	s9 =	ssub.s32 $0x2, s5  }
0x6: {  	_ =	strace $0x8000004D;
	s5 =	smul.u32 $0x6200, s5;
	s31 =	sshrl.u32 s9, $0x1  }
0x7: {  	s30 =	sadd.s32 s8, s4;
	s6 =	sadd.s32 s7, s6;
	s8 =	ssub.s32 s9, s31  }
0x8: {  	s5 =	sadd.s32 s5, s30;
	s7 =	simm.s32 $0x2;
	s6 =	sshrl.u32 s6, $0x3  }
0x9: {  	s9 =	simm.s32 $0x80;
	s5 =	sadd.s32 $0x7600, s5;
	s6 =	sadd.s32 s6, s4  }
0xa: {  	s4 =	smax.u32 s8, $0x1;
	s8 =	simm.s32 $0x70;
	s6 =	sadd.s32 $0x5C00, s6  }
.LBB2_1:
0xb: {  	s12 =	sadd.s32 $0x0, s6  }
0xc: {  	[tilespmem:s3], [sflag:$0x2] =	stream.linear.gather [hbm4b:s12+s3], $0x70, $0x38;
	[tilespmem:$0x3880] =	vst v63  }
0xd: {  	_ =	swait.ge [sflag:s7], $0x70  }
0xe: {  	[sflag:s7] =	ssyncset.done $0x0  }
0xf: {  	[sflag:s7] =	ssyncadd.s32 $0xFFFFFF90  }
0x10: {  	[tilespmem:s9], [sflag:$0x1] =	stream.indirect.gather [hbm4b:s2+s8], $0x80, s3, s8, $0xb8;
	[tilespmem:$0x3880] =	vst v63  }
0x11: {  	_ =	swait.ge [sflag:s10], $0x3800  }
0x12: {  	[sflag:s10] =	ssyncset.done $0x0  }
0x13: {  	[sflag:s10] =	ssyncadd.s32 $0xFFFFC800  }
0x14: {  	[hbm4b:s5+s3] =	stream.linear.scatter [tilespmem:s9], [sflag:$0x2], $0x3800, $0x38;
	[tilespmem:$0x3880] =	vst v63  }
0x15: {  	s13 =	simm.s32 $0xE;
	_ =	swait.ge [sflag:s7], $0x3800  }
0x16: {  	s14 =	simm.s32 $0x1C;
	s12 =	sadd.s32 $0x700, s5;
	[sflag:s7] =	ssyncset.done $0x0  }
.LBB2_2:
0x17: {  	s15 =	sadd.s32 s13, s6  }
0x18: {  	[sflag:s7] =	ssyncadd.s32 $0xFFFFC800;
	s13 =	smov.u32 s14;
	s16 =	sadd.s32 $0xE, s14  }
0x19: {  	[tilespmem:s3], [sflag:$0x2] =	stream.linear.gather [hbm4b:s15+s3], $0x70, $0x38;
	[tilespmem:$0x3880] =	vst v63  }
0x1a: {  	p0 =	sne.s32 s14, $0xB6;
	_ =	swait.ge [sflag:s7], $0x70  }
0x1b: {  	[sflag:s7] =	ssyncset.done $0x0  }
0x1c: {  	[sflag:s7] =	ssyncadd.s32 $0xFFFFFF90  }
0x1d: {  	[tilespmem:s9], [sflag:$0x1] =	stream.indirect.gather [hbm4b:s2+s8], $0x80, s3, s8, $0xb8;
	[tilespmem:$0x3880] =	vst v63  }
0x1e: {  	_ =	swait.ge [sflag:s10], $0x3800  }
.Ltmp0:
0x1f: {  	[sflag:s10] =	ssyncset.done $0x0;
	(pc) =	sbr.rel @p0 .LBB2_2-.Ltmp0, $4  }
0x20: {  	[sflag:s10] =	ssyncadd.s32 $0xFFFFC800  }
0x21: {  	[hbm4b:s12+s3] =	stream.linear.scatter [tilespmem:s9], [sflag:$0x2], $0x3800, $0x38;
	[tilespmem:$0x3880] =	vst v63  }
0x22: {  	_ =	swait.ge [sflag:s7], $0x3800  }
0x23: {  	s14 =	smov.u32 s16;
	s12 =	sadd.s32 $0x700, s12;
	[sflag:s7] =	ssyncset.done $0x0  }
0x24: {  	s13 =	sadd.s32 s13, s6;
	[sflag:s7] =	ssyncadd.s32 $0xFFFFC800  }
0x25: {  	[tilespmem:s3], [sflag:$0x2] =	stream.linear.gather [hbm4b:s13+s3], $0x70, $0x38;
	[tilespmem:$0x3880] =	vst v63  }
0x26: {  	_ =	swait.ge [sflag:s7], $0x70  }
0x27: {  	[sflag:s7] =	ssyncset.done $0x0  }
0x28: {  	[sflag:s7] =	ssyncadd.s32 $0xFFFFFF90  }
0x29: {  	[tilespmem:s9], [sflag:$0x1] =	stream.indirect.gather [hbm4b:s2+s8], $0x80, s3, s8, $0xb8;
	[tilespmem:$0x3880] =	vst v63  }
0x2a: {  	s11 =	sadd.s32 $0x1, s11;
	_ =	swait.ge [sflag:s10], $0x3800  }
0x2b: {  	p0 =	sne.s32 s11, s4;
	[sflag:s10] =	ssyncset.done $0x0  }
.Ltmp1:
0x2c: {  	[sflag:s10] =	ssyncadd.s32 $0xFFFFC800;
	(pc) =	sbr.rel @p0 .LBB2_1-.Ltmp1, $4  }
0x2d: {  	[hbm4b:s12+s3] =	stream.linear.scatter [tilespmem:s9], [sflag:$0x2], $0x3800, $0x38;
	[tilespmem:$0x3880] =	vst v63  }
0x2e: {  	_ =	swait.ge [sflag:s7], $0x3800  }
0x2f: {  	[sflag:s7] =	ssyncset.done $0x0  }
0x30: {  	[sflag:s7] =	ssyncadd.s32 $0xFFFFC800  }
0x31: {  	_ =	sfence.sel $0x180000  }
0x32: {  	[bflag:$0x0] =	sbarrier.arrive $0xFFFF  }
0x33: {  	p0 =	sne.s32 s0, $0x0;
	_ =	strace $0x9000004D  }
0x34: {  	s0 =	sadd.s32 @!p0 $0x100000, s1;
	[bflag:$0x2] =	sbarrier.arrive $0xFFFF  }
0x35: {  	[sflag:s0] =	ssyncadd.tile.s32 @!p0 $0x1;
	_ =	shalt  }
.Lfunc_end2:
_tile_overlayer_lowered:
.L_overlay_start_2:
0x36: {  	(tag) =	ssettag $0x2  }
0x37: {  	s0 =	rddreg [dreg:$0x0];
	s2 =	stileid.u32  }
0x38: {  	s1 =	rddreg [dreg:$0x1];
	p0 =	sne.s32 s2, $0x0  }
0x39: {  	s3 =	rddreg [dreg:$0x2];
	[bflag:$0x3] =	sbarrier.arrive $0xFFFF;
	s2 =	simm.s32 @!p0 $0x1C02  }
0x3a: {  	[timem:s3], [sflag:s2] =	dma.local @!p0 [hbm:s0], s1  }
0x3b: {  	s0 =	simm.s32 @!p0 $0x2  }
0x3c: {  	_ =	swait.ge @!p0 [sflag:s0], s1  }
0x3d: {  	s1 =	ssub.s32 @!p0 $0x0, s1;
	[sflag:s0] =	ssyncset.done @!p0 $0x0  }
0x3e: {  	[sflag:s0] =	ssyncadd.s32 @!p0 s1  }
0x3f: {  	[bflag:$0x3] =	sbarrier.arrive $0xFFFF  }
0x40: {  	_ =	shalt  }

</sc_bundles>
